<compile_context>
chip_gen: v7x
topology: tpu7x:2x2x1
jax: 0.10.2.dev20260603
libtpu: 0.0.44.dev20260713+nightly
codegen_flags: <defaults>
</compile_context>

<pallas_src>
import functools

import jax
import jax.numpy as jnp
from jax import lax
from jax.experimental import pallas as pl
from jax.experimental.pallas import tpu as pltpu
from jax.experimental.pallas import tpu_sc as plsc

B = 16384
D = 128
Z_BINS = 64
T_ROWS = 136

_NC = 2
_NS = 16
NW = _NC * _NS
BPW = B // NW
CHUNK = 128
NCH = BPW // CHUNK
NREP = 32


def _table_body(path_ref, bin_ref, pe_ref, zcw_ref, zcb_ref, cw_ref, cb_ref,
                null_ref, out_ref):
    row = lax.broadcasted_iota(jnp.int32, (2 * Z_BINS, 1), 0)
    zb = row % Z_BINS
    zcol = (126 * zb + 63) // Z_BINS
    col = lax.broadcasted_iota(jnp.int32, (2 * Z_BINS, 2 * Z_BINS), 1)
    oh_sin = (col == zcol).astype(jnp.float32)
    pe_p = jnp.concatenate([pe_ref[...], jnp.zeros((1, D), jnp.float32)],
                           axis=0)
    sin128 = jnp.dot(oh_sin, pe_p, preferred_element_type=jnp.float32)
    bin128 = jnp.concatenate([bin_ref[...], bin_ref[...]], axis=0)
    z_cat = jnp.concatenate([bin128, sin128], axis=1)
    z_emb = lax.dot_general(z_cat, zcw_ref[...], (((1,), (1,)), ((), ())),
                            preferred_element_type=jnp.float32) + zcb_ref[...]
    pmask = (row < Z_BINS).astype(jnp.float32)
    path128 = pmask * path_ref[0:1, :] + (1.0 - pmask) * path_ref[1:2, :]
    combined = jnp.concatenate([path128, z_emb], axis=1)
    emb = lax.dot_general(combined, cw_ref[...], (((1,), (1,)), ((), ())),
                          preferred_element_type=jnp.float32) + cb_ref[...]
    null_rows = jnp.broadcast_to(null_ref[...], (T_ROWS - 2 * Z_BINS, D))
    for w in range(NREP):
        out_ref[pl.ds(w * T_ROWS, 2 * Z_BINS), :] = emb
        out_ref[pl.ds(w * T_ROWS + 2 * Z_BINS, T_ROWS - 2 * Z_BINS), :] = (
            null_rows)


def _build_table(path_table, bin_table, pe_p, zc_W, zc_b2, comb_W, comb_b2,
                 null_emb):
    return pl.pallas_call(
        _table_body,
        out_shape=jax.ShapeDtypeStruct((NREP * T_ROWS, D), jnp.float32),
    )(path_table, bin_table, pe_p, zc_W, zc_b2, comb_W, comb_b2, null_emb)


def _sc_gather_body(table_hbm, tok_hbm, out_hbm, idx_v, rows_v, g_sem, o_sem):
    wid = lax.axis_index("s") * _NC + lax.axis_index("c")
    pltpu.sync_copy(tok_hbm.at[wid], idx_v)
    off = (wid % NREP) * T_ROWS
    for j in range(NCH):
        for k in range(CHUNK // 16):
            sl = (j, pl.ds(k * 16, 16))
            idx_v[sl] = idx_v[sl] + off
    gathers = []
    for j in range(NCH):
        gathers.append(
            pltpu.async_copy(table_hbm.at[idx_v.at[j]],
                             rows_v.at[pl.ds(j * CHUNK, CHUNK)], g_sem))
    outs = []
    for h in range(2):
        gathers[2 * h].wait()
        gathers[2 * h + 1].wait()
        outs.append(
            pltpu.async_copy(
                rows_v.at[pl.ds(h * (BPW // 2), BPW // 2)],
                out_hbm.at[wid, pl.ds(h * (BPW // 2), BPW // 2)], o_sem))
    for c in outs:
        c.wait()


@functools.cache
def _sc_gather():
    mesh = plsc.VectorSubcoreMesh(core_axis_name="c", subcore_axis_name="s")
    return pl.kernel(
        _sc_gather_body,
        mesh=mesh,
        out_type=jax.ShapeDtypeStruct((NW, BPW, D), jnp.float32),
        scratch_types=[
            pltpu.VMEM((NCH, CHUNK), jnp.int32),
            pltpu.VMEM((BPW, D), jnp.float32),
            pltpu.SemaphoreType.DMA,
            pltpu.SemaphoreType.DMA,
        ],
    )


def kernel(tokens, path_table, bin_table, pe, zc_W, zc_b, comb_W, comb_b,
           null_emb):
    table = _build_table(path_table, bin_table, pe, zc_W,
                         zc_b.reshape(1, D), comb_W, comb_b.reshape(1, D),
                         null_emb)
    toks = tokens.astype(jnp.int32).reshape(NW, NCH, CHUNK)
    out = _sc_gather()(table, toks)
    return out.reshape(B, D)

# --- scband reference (transcript-rebuilt; emitter-appended) ---
"""Pipeline reference for scband-conditional-embedding-with-sinusoidal-37383395344784 (READ-ONLY COPY).

The authoritative reference and input builder live on the scoring server;
editing this copy changes nothing except your own understanding.
"""

import math
import jax, jax.numpy as jnp
import numpy as np

B = 16384
D = 128
Z_BINS = 64
MAX_Z = 127
MIN_Z = 0
MAX_ZR = 126


def _make_pe(max_positions, dim):
    position = np.arange(max_positions, dtype=np.float32)[:, None]
    div_term = np.exp(np.arange(0, dim, 2, dtype=np.float32) * (-math.log(10000.0) / dim))
    pe = np.zeros((max_positions, dim), dtype=np.float32)
    pe[:, 0::2] = np.sin(position * div_term)
    pe[:, 1::2] = np.cos(position * div_term)
    return jnp.asarray(pe)


def setup_inputs(seed: int = 0) -> dict:
    key = jax.random.key(seed)
    ks = jax.random.split(key, 8)
    tokens = jax.random.randint(ks[0], (B,), 0, 129)
    path_table = jax.random.normal(ks[1], (2, D), dtype=jnp.float32)
    bin_table = jax.random.normal(ks[2], (Z_BINS, D), dtype=jnp.float32)
    pe = _make_pe(MAX_Z, D)
    lim = 1.0 / math.sqrt(2 * D)
    zc_W = jax.random.uniform(ks[3], (D, 2 * D), minval=-lim, maxval=lim, dtype=jnp.float32)
    zc_b = jax.random.uniform(ks[4], (D,), minval=-lim, maxval=lim, dtype=jnp.float32)
    comb_W = jax.random.uniform(ks[5], (D, 2 * D), minval=-lim, maxval=lim, dtype=jnp.float32)
    comb_b = jax.random.uniform(ks[6], (D,), minval=-lim, maxval=lim, dtype=jnp.float32)
    null_emb = jax.random.normal(ks[7], (1, D), dtype=jnp.float32) * 0.02
    return {
        "tokens": tokens,
        "path_table": path_table,
        "bin_table": bin_table,
        "pe": pe,
        "zc_W": zc_W,
        "zc_b": zc_b,
        "comb_W": comb_W,
        "comb_b": comb_b,
        "null_emb": null_emb,
    }


def reference(tokens, path_table, bin_table, pe, zc_W, zc_b, comb_W, comb_b, null_emb):
    is_null = tokens >= 2 * Z_BINS
    safe_tokens = jnp.where(is_null, jnp.zeros_like(tokens), tokens)
    pathology_class = jnp.clip(safe_tokens // Z_BINS, 0, 1)
    z_bin = jnp.clip(safe_tokens % Z_BINS, 0, Z_BINS - 1)
    path_emb = jnp.take(path_table, pathology_class, axis=0)
    range_size = MAX_ZR - MIN_Z
    z_norm = (z_bin.astype(jnp.float32) + 0.5) / Z_BINS
    z_indices = (MIN_Z + z_norm * range_size).astype(jnp.int32)
    z_indices = jnp.clip(z_indices, MIN_Z, MAX_ZR)
    z_indices = jnp.clip(z_indices, 0, MAX_Z)
    bin_emb = jnp.take(bin_table, z_bin, axis=0)
    sin_emb = jnp.take(pe, z_indices, axis=0)
    z_cat = jnp.concatenate([bin_emb, sin_emb], axis=-1)
    z_emb = z_cat @ zc_W.T + zc_b
    combined = jnp.concatenate([path_emb, z_emb], axis=-1)
    emb = combined @ comb_W.T + comb_b
    emb = jnp.where(is_null[:, None], jnp.broadcast_to(null_emb, emb.shape), emb)
    return emb

if __name__ == "__main__":
    import jax
    _d = setup_inputs()
    print(jax.jit(kernel)(*tuple(_d.values())))

</pallas_src>

<mosaic_0001>
#map = affine_map<(d0, d1) -> (0, 0)>
#map1 = affine_map<(d0, d1) -> (0, 0, 0)>
module attributes {stable_mosaic.version = 14 : i64} {
  func.func @_sc_gather_body(%arg0: i32, %arg1: i32, %arg2: memref<4352x128xf32, #tpu.memory_space<hbm>>, %arg3: memref<32x4x128xi32, #tpu.memory_space<hbm>>, %arg4: memref<32x512x128xf32, #tpu.memory_space<hbm>>, %arg5: memref<4x128xi32, #tpu.memory_space<vmem>>, %arg6: memref<512x128xf32, #tpu.memory_space<vmem>>, %arg7: memref<!tpu.dma_semaphore, #tpu.memory_space<semaphore_mem>>, %arg8: memref<!tpu.dma_semaphore, #tpu.memory_space<semaphore_mem>>) attributes {dimension_semantics = [#tpu.dimension_semantics<core_parallel>, #tpu.dimension_semantics<subcore_parallel>], iteration_bounds = array<i64: 2, 16>, scalar_prefetch = 0 : i64, scratch_operands = 4 : i64, tpu.core_type = #tpu.core_type<sc_vector_subcore>, window_params = [{transform_indices = #map}, {transform_indices = #map1}, {transform_indices = #map1}]} {
    %mul3A = arith.constant 2 : i32
    %mul3A_0 = arith.muli %arg1, %mul3A : i32
    %add3A = arith.addi %mul3A_0, %arg0 : i32
    "tpu.region"() ({
      %run_scoped3A = tpu.sem_alloc : memref<!tpu.dma_semaphore, #tpu.memory_space<semaphore_mem>>
      %dma_start3A_560 = arith.constant 0 : i32
      %dma_start3A_561 = arith.constant 0 : i32
      %dma_start3A_562 = tpu.memref_slice %arg3[%add3A, %dma_start3A_560, %dma_start3A_561] : memref<32x4x128xi32, #tpu.memory_space<hbm>> -> memref<1x4x128xi32, #tpu.memory_space<hbm>>
      %dma_start3A_563 = tpu.memref_squeeze %dma_start3A_562 : memref<1x4x128xi32, #tpu.memory_space<hbm>> -> memref<4x128xi32, #tpu.memory_space<hbm>>
      %dma_start3A_564 = arith.constant 0 : i32
      %dma_start3A_565 = arith.constant 0 : i32
      %dma_start3A_566 = tpu.memref_slice %arg3[%add3A, %dma_start3A_564, %dma_start3A_565] : memref<32x4x128xi32, #tpu.memory_space<hbm>> -> memref<1x4x128xi32, #tpu.memory_space<hbm>>
      %dma_start3A_567 = tpu.memref_squeeze %dma_start3A_566 : memref<1x4x128xi32, #tpu.memory_space<hbm>> -> memref<4x128xi32, #tpu.memory_space<hbm>>
      tpu.enqueue_dma source(%dma_start3A_567 : memref<4x128xi32, #tpu.memory_space<hbm>>) target(%arg5 : memref<4x128xi32, #tpu.memory_space<vmem>>) target_semaphore(%run_scoped3A : memref<!tpu.dma_semaphore, #tpu.memory_space<semaphore_mem>>)
      %dma_wait3A_568 = arith.constant 0 : i32
      %dma_wait3A_569 = arith.constant 0 : i32
      %dma_wait3A_570 = tpu.memref_slice %arg3[%add3A, %dma_wait3A_568, %dma_wait3A_569] : memref<32x4x128xi32, #tpu.memory_space<hbm>> -> memref<1x4x128xi32, #tpu.memory_space<hbm>>
      %dma_wait3A_571 = tpu.memref_squeeze %dma_wait3A_570 : memref<1x4x128xi32, #tpu.memory_space<hbm>> -> memref<4x128xi32, #tpu.memory_space<hbm>>
      %dma_wait3A_572 = arith.constant 0 : i32
      %dma_wait3A_573 = arith.constant 0 : i32
      %dma_wait3A_574 = tpu.memref_slice %arg3[%add3A, %dma_wait3A_572, %dma_wait3A_573] : memref<32x4x128xi32, #tpu.memory_space<hbm>> -> memref<1x4x128xi32, #tpu.memory_space<hbm>>
      %dma_wait3A_575 = tpu.memref_squeeze %dma_wait3A_574 : memref<1x4x128xi32, #tpu.memory_space<hbm>> -> memref<4x128xi32, #tpu.memory_space<hbm>>
      tpu.wait_dma2 semaphore(%run_scoped3A : memref<!tpu.dma_semaphore, #tpu.memory_space<semaphore_mem>>) src(%dma_wait3A_575 : memref<4x128xi32, #tpu.memory_space<hbm>>) dst(%arg5 : memref<4x128xi32, #tpu.memory_space<vmem>>)
      tpu.yield
    }) : () -> ()
    %jit3A = arith.constant 32 : i32
    %eq3A = arith.constant 0 : i32
    %eq3A_1 = arith.cmpi eq, %jit3A, %eq3A : i32
    %jit3A_2 = arith.constant 1 : i32
    %select_n3A = arith.select %eq3A_1, %jit3A_2, %jit3A : i32
    %rem3A = arith.remsi %add3A, %select_n3A : i32
    %ne3A = arith.constant 0 : i32
    %ne3A_3 = arith.cmpi ne, %rem3A, %ne3A : i32
    %lt3A = arith.constant 0 : i32
    %lt3A_4 = arith.cmpi slt, %rem3A, %lt3A : i32
    %lt3A_5 = arith.constant 0 : i32
    %lt3A_6 = arith.cmpi slt, %select_n3A, %lt3A_5 : i32
    %ne3A_7 = arith.xori %lt3A_4, %lt3A_6 : i1
    %and3A = arith.andi %ne3A_7, %ne3A_3 : i1
    %add3A_8 = arith.addi %rem3A, %select_n3A : i32
    %select_n3A_9 = arith.select %and3A, %add3A_8, %rem3A : i32
    %mul3A_10 = arith.constant 136 : i32
    %mul3A_11 = arith.muli %select_n3A_9, %mul3A_10 : i32
    %get3A = arith.constant 0 : i32
    %get3A_12 = arith.index_cast %get3A : i32 to index
    %get3A_13 = arith.constant 0 : index
    %get3A_14 = tpu.vector_load %arg5[%get3A_12, %get3A_13] {strides = array<i32>} : memref<4x128xi32, #tpu.memory_space<vmem>>, vector<1x16xi32>,
    %get3A_15 = vector.shape_cast %get3A_14 : vector<1x16xi32> to vector<16xi32>
    %add3A_16 = vector.broadcast %mul3A_11 : i32 to vector<16xi32>
    %add3A_17 = arith.addi %get3A_15, %add3A_16 : vector<16xi32>
    %swap3A = arith.constant 0 : i32
    %swap3A_18 = arith.index_cast %swap3A : i32 to index
    %swap3A_19 = arith.constant 0 : index
    %swap3A_20 = tpu.vector_load %arg5[%swap3A_18, %swap3A_19] {strides = array<i32>} : memref<4x128xi32, #tpu.memory_space<vmem>>, vector<1x16xi32>,
    %swap3A_21 = vector.shape_cast %swap3A_20 : vector<1x16xi32> to vector<16xi32>
    %swap3A_22 = vector.shape_cast %add3A_17 : vector<16xi32> to vector<1x16xi32>
    tpu.vector_store %arg5[%swap3A_18, %swap3A_19], %swap3A_22 {strides = array<i32>} : memref<4x128xi32, #tpu.memory_space<vmem>>, vector<1x16xi32>,
    %get3A_23 = arith.constant 0 : i32
    %get3A_24 = arith.index_cast %get3A_23 : i32 to index
    %get3A_25 = arith.constant 16 : index
    %get3A_26 = tpu.vector_load %arg5[%get3A_24, %get3A_25] {strides = array<i32>} : memref<4x128xi32, #tpu.memory_space<vmem>>, vector<1x16xi32>,
    %get3A_27 = vector.shape_cast %get3A_26 : vector<1x16xi32> to vector<16xi32>
    %add3A_28 = vector.broadcast %mul3A_11 : i32 to vector<16xi32>
    %add3A_29 = arith.addi %get3A_27, %add3A_28 : vector<16xi32>
    %swap3A_30 = arith.constant 0 : i32
    %swap3A_31 = arith.index_cast %swap3A_30 : i32 to index
    %swap3A_32 = arith.constant 16 : index
    %swap3A_33 = tpu.vector_load %arg5[%swap3A_31, %swap3A_32] {strides = array<i32>} : memref<4x128xi32, #tpu.memory_space<vmem>>, vector<1x16xi32>,
    %swap3A_34 = vector.shape_cast %swap3A_33 : vector<1x16xi32> to vector<16xi32>
    %swap3A_35 = vector.shape_cast %add3A_29 : vector<16xi32> to vector<1x16xi32>
    tpu.vector_store %arg5[%swap3A_31, %swap3A_32], %swap3A_35 {strides = array<i32>} : memref<4x128xi32, #tpu.memory_space<vmem>>, vector<1x16xi32>,
    %get3A_36 = arith.constant 0 : i32
    %get3A_37 = arith.index_cast %get3A_36 : i32 to index
    %get3A_38 = arith.constant 32 : index
    %get3A_39 = tpu.vector_load %arg5[%get3A_37, %get3A_38] {strides = array<i32>} : memref<4x128xi32, #tpu.memory_space<vmem>>, vector<1x16xi32>,
    %get3A_40 = vector.shape_cast %get3A_39 : vector<1x16xi32> to vector<16xi32>
    %add3A_41 = vector.broadcast %mul3A_11 : i32 to vector<16xi32>
    %add3A_42 = arith.addi %get3A_40, %add3A_41 : vector<16xi32>
    %swap3A_43 = arith.constant 0 : i32
    %swap3A_44 = arith.index_cast %swap3A_43 : i32 to index
    %swap3A_45 = arith.constant 32 : index
    %swap3A_46 = tpu.vector_load %arg5[%swap3A_44, %swap3A_45] {strides = array<i32>} : memref<4x128xi32, #tpu.memory_space<vmem>>, vector<1x16xi32>,
    %swap3A_47 = vector.shape_cast %swap3A_46 : vector<1x16xi32> to vector<16xi32>
    %swap3A_48 = vector.shape_cast %add3A_42 : vector<16xi32> to vector<1x16xi32>
    tpu.vector_store %arg5[%swap3A_44, %swap3A_45], %swap3A_48 {strides = array<i32>} : memref<4x128xi32, #tpu.memory_space<vmem>>, vector<1x16xi32>,
    %get3A_49 = arith.constant 0 : i32
    %get3A_50 = arith.index_cast %get3A_49 : i32 to index
    %get3A_51 = arith.constant 48 : index
    %get3A_52 = tpu.vector_load %arg5[%get3A_50, %get3A_51] {strides = array<i32>} : memref<4x128xi32, #tpu.memory_space<vmem>>, vector<1x16xi32>,
    %get3A_53 = vector.shape_cast %get3A_52 : vector<1x16xi32> to vector<16xi32>
    %add3A_54 = vector.broadcast %mul3A_11 : i32 to vector<16xi32>
    %add3A_55 = arith.addi %get3A_53, %add3A_54 : vector<16xi32>
    %swap3A_56 = arith.constant 0 : i32
    %swap3A_57 = arith.index_cast %swap3A_56 : i32 to index
    %swap3A_58 = arith.constant 48 : index
    %swap3A_59 = tpu.vector_load %arg5[%swap3A_57, %swap3A_58] {strides = array<i32>} : memref<4x128xi32, #tpu.memory_space<vmem>>, vector<1x16xi32>,
    %swap3A_60 = vector.shape_cast %swap3A_59 : vector<1x16xi32> to vector<16xi32>
    %swap3A_61 = vector.shape_cast %add3A_55 : vector<16xi32> to vector<1x16xi32>
    tpu.vector_store %arg5[%swap3A_57, %swap3A_58], %swap3A_61 {strides = array<i32>} : memref<4x128xi32, #tpu.memory_space<vmem>>, vector<1x16xi32>,
    %get3A_62 = arith.constant 0 : i32
    %get3A_63 = arith.index_cast %get3A_62 : i32 to index
    %get3A_64 = arith.constant 64 : index
    %get3A_65 = tpu.vector_load %arg5[%get3A_63, %get3A_64] {strides = array<i32>} : memref<4x128xi32, #tpu.memory_space<vmem>>, vector<1x16xi32>,
    %get3A_66 = vector.shape_cast %get3A_65 : vector<1x16xi32> to vector<16xi32>
    %add3A_67 = vector.broadcast %mul3A_11 : i32 to vector<16xi32>
    %add3A_68 = arith.addi %get3A_66, %add3A_67 : vector<16xi32>
    %swap3A_69 = arith.constant 0 : i32
    %swap3A_70 = arith.index_cast %swap3A_69 : i32 to index
    %swap3A_71 = arith.constant 64 : index
    %swap3A_72 = tpu.vector_load %arg5[%swap3A_70, %swap3A_71] {strides = array<i32>} : memref<4x128xi32, #tpu.memory_space<vmem>>, vector<1x16xi32>,
    %swap3A_73 = vector.shape_cast %swap3A_72 : vector<1x16xi32> to vector<16xi32>
    %swap3A_74 = vector.shape_cast %add3A_68 : vector<16xi32> to vector<1x16xi32>
    tpu.vector_store %arg5[%swap3A_70, %swap3A_71], %swap3A_74 {strides = array<i32>} : memref<4x128xi32, #tpu.memory_space<vmem>>, vector<1x16xi32>,
    %get3A_75 = arith.constant 0 : i32
    %get3A_76 = arith.index_cast %get3A_75 : i32 to index
    %get3A_77 = arith.constant 80 : index
    %get3A_78 = tpu.vector_load %arg5[%get3A_76, %get3A_77] {strides = array<i32>} : memref<4x128xi32, #tpu.memory_space<vmem>>, vector<1x16xi32>,
    %get3A_79 = vector.shape_cast %get3A_78 : vector<1x16xi32> to vector<16xi32>
    %add3A_80 = vector.broadcast %mul3A_11 : i32 to vector<16xi32>
    %add3A_81 = arith.addi %get3A_79, %add3A_80 : vector<16xi32>
    %swap3A_82 = arith.constant 0 : i32
    %swap3A_83 = arith.index_cast %swap3A_82 : i32 to index
    %swap3A_84 = arith.constant 80 : index
    %swap3A_85 = tpu.vector_load %arg5[%swap3A_83, %swap3A_84] {strides = array<i32>} : memref<4x128xi32, #tpu.memory_space<vmem>>, vector<1x16xi32>,
    %swap3A_86 = vector.shape_cast %swap3A_85 : vector<1x16xi32> to vector<16xi32>
    %swap3A_87 = vector.shape_cast %add3A_81 : vector<16xi32> to vector<1x16xi32>
    tpu.vector_store %arg5[%swap3A_83, %swap3A_84], %swap3A_87 {strides = array<i32>} : memref<4x128xi32, #tpu.memory_space<vmem>>, vector<1x16xi32>,
    %get3A_88 = arith.constant 0 : i32
    %get3A_89 = arith.index_cast %get3A_88 : i32 to index
    %get3A_90 = arith.constant 96 : index
    %get3A_91 = tpu.vector_load %arg5[%get3A_89, %get3A_90] {strides = array<i32>} : memref<4x128xi32, #tpu.memory_space<vmem>>, vector<1x16xi32>,
    %get3A_92 = vector.shape_cast %get3A_91 : vector<1x16xi32> to vector<16xi32>
    %add3A_93 = vector.broadcast %mul3A_11 : i32 to vector<16xi32>
    %add3A_94 = arith.addi %get3A_92, %add3A_93 : vector<16xi32>
    %swap3A_95 = arith.constant 0 : i32
    %swap3A_96 = arith.index_cast %swap3A_95 : i32 to index
    %swap3A_97 = arith.constant 96 : index
    %swap3A_98 = tpu.vector_load %arg5[%swap3A_96, %swap3A_97] {strides = array<i32>} : memref<4x128xi32, #tpu.memory_space<vmem>>, vector<1x16xi32>,
    %swap3A_99 = vector.shape_cast %swap3A_98 : vector<1x16xi32> to vector<16xi32>
    %swap3A_100 = vector.shape_cast %add3A_94 : vector<16xi32> to vector<1x16xi32>
    tpu.vector_store %arg5[%swap3A_96, %swap3A_97], %swap3A_100 {strides = array<i32>} : memref<4x128xi32, #tpu.memory_space<vmem>>, vector<1x16xi32>,
    %get3A_101 = arith.constant 0 : i32
    %get3A_102 = arith.index_cast %get3A_101 : i32 to index
    %get3A_103 = arith.constant 112 : index
    %get3A_104 = tpu.vector_load %arg5[%get3A_102, %get3A_103] {strides = array<i32>} : memref<4x128xi32, #tpu.memory_space<vmem>>, vector<1x16xi32>,
    %get3A_105 = vector.shape_cast %get3A_104 : vector<1x16xi32> to vector<16xi32>
    %add3A_106 = vector.broadcast %mul3A_11 : i32 to vector<16xi32>
    %add3A_107 = arith.addi %get3A_105, %add3A_106 : vector<16xi32>
    %swap3A_108 = arith.constant 0 : i32
    %swap3A_109 = arith.index_cast %swap3A_108 : i32 to index
    %swap3A_110 = arith.constant 112 : index
    %swap3A_111 = tpu.vector_load %arg5[%swap3A_109, %swap3A_110] {strides = array<i32>} : memref<4x128xi32, #tpu.memory_space<vmem>>, vector<1x16xi32>,
    %swap3A_112 = vector.shape_cast %swap3A_111 : vector<1x16xi32> to vector<16xi32>
    %swap3A_113 = vector.shape_cast %add3A_107 : vector<16xi32> to vector<1x16xi32>
    tpu.vector_store %arg5[%swap3A_109, %swap3A_110], %swap3A_113 {strides = array<i32>} : memref<4x128xi32, #tpu.memory_space<vmem>>, vector<1x16xi32>,
    %get3A_114 = arith.constant 1 : i32
    %get3A_115 = arith.index_cast %get3A_114 : i32 to index
    %get3A_116 = arith.constant 0 : index
    %get3A_117 = tpu.vector_load %arg5[%get3A_115, %get3A_116] {strides = array<i32>} : memref<4x128xi32, #tpu.memory_space<vmem>>, vector<1x16xi32>,
    %get3A_118 = vector.shape_cast %get3A_117 : vector<1x16xi32> to vector<16xi32>
    %add3A_119 = vector.broadcast %mul3A_11 : i32 to vector<16xi32>
    %add3A_120 = arith.addi %get3A_118, %add3A_119 : vector<16xi32>
    %swap3A_121 = arith.constant 1 : i32
    %swap3A_122 = arith.index_cast %swap3A_121 : i32 to index
    %swap3A_123 = arith.constant 0 : index
    %swap3A_124 = tpu.vector_load %arg5[%swap3A_122, %swap3A_123] {strides = array<i32>} : memref<4x128xi32, #tpu.memory_space<vmem>>, vector<1x16xi32>,
    %swap3A_125 = vector.shape_cast %swap3A_124 : vector<1x16xi32> to vector<16xi32>
    %swap3A_126 = vector.shape_cast %add3A_120 : vector<16xi32> to vector<1x16xi32>
    tpu.vector_store %arg5[%swap3A_122, %swap3A_123], %swap3A_126 {strides = array<i32>} : memref<4x128xi32, #tpu.memory_space<vmem>>, vector<1x16xi32>,
    %get3A_127 = arith.constant 1 : i32
    %get3A_128 = arith.index_cast %get3A_127 : i32 to index
    %get3A_129 = arith.constant 16 : index
    %get3A_130 = tpu.vector_load %arg5[%get3A_128, %get3A_129] {strides = array<i32>} : memref<4x128xi32, #tpu.memory_space<vmem>>, vector<1x16xi32>,
    %get3A_131 = vector.shape_cast %get3A_130 : vector<1x16xi32> to vector<16xi32>
    %add3A_132 = vector.broadcast %mul3A_11 : i32 to vector<16xi32>
    %add3A_133 = arith.addi %get3A_131, %add3A_132 : vector<16xi32>
    %swap3A_134 = arith.constant 1 : i32
    %swap3A_135 = arith.index_cast %swap3A_134 : i32 to index
    %swap3A_136 = arith.constant 16 : index
    %swap3A_137 = tpu.vector_load %arg5[%swap3A_135, %swap3A_136] {strides = array<i32>} : memref<4x128xi32, #tpu.memory_space<vmem>>, vector<1x16xi32>,
    %swap3A_138 = vector.shape_cast %swap3A_137 : vector<1x16xi32> to vector<16xi32>
    %swap3A_139 = vector.shape_cast %add3A_133 : vector<16xi32> to vector<1x16xi32>
    tpu.vector_store %arg5[%swap3A_135, %swap3A_136], %swap3A_139 {strides = array<i32>} : memref<4x128xi32, #tpu.memory_space<vmem>>, vector<1x16xi32>,
    %get3A_140 = arith.constant 1 : i32
    %get3A_141 = arith.index_cast %get3A_140 : i32 to index
    %get3A_142 = arith.constant 32 : index
    %get3A_143 = tpu.vector_load %arg5[%get3A_141, %get3A_142] {strides = array<i32>} : memref<4x128xi32, #tpu.memory_space<vmem>>, vector<1x16xi32>,
    %get3A_144 = vector.shape_cast %get3A_143 : vector<1x16xi32> to vector<16xi32>
    %add3A_145 = vector.broadcast %mul3A_11 : i32 to vector<16xi32>
    %add3A_146 = arith.addi %get3A_144, %add3A_145 : vector<16xi32>
    %swap3A_147 = arith.constant 1 : i32
    %swap3A_148 = arith.index_cast %swap3A_147 : i32 to index
    %swap3A_149 = arith.constant 32 : index
    %swap3A_150 = tpu.vector_load %arg5[%swap3A_148, %swap3A_149] {strides = array<i32>} : memref<4x128xi32, #tpu.memory_space<vmem>>, vector<1x16xi32>,
    %swap3A_151 = vector.shape_cast %swap3A_150 : vector<1x16xi32> to vector<16xi32>
    %swap3A_152 = vector.shape_cast %add3A_146 : vector<16xi32> to vector<1x16xi32>
    tpu.vector_store %arg5[%swap3A_148, %swap3A_149], %swap3A_152 {strides = array<i32>} : memref<4x128xi32, #tpu.memory_space<vmem>>, vector<1x16xi32>,
    %get3A_153 = arith.constant 1 : i32
    %get3A_154 = arith.index_cast %get3A_153 : i32 to index
    %get3A_155 = arith.constant 48 : index
    %get3A_156 = tpu.vector_load %arg5[%get3A_154, %get3A_155] {strides = array<i32>} : memref<4x128xi32, #tpu.memory_space<vmem>>, vector<1x16xi32>,
    %get3A_157 = vector.shape_cast %get3A_156 : vector<1x16xi32> to vector<16xi32>
    %add3A_158 = vector.broadcast %mul3A_11 : i32 to vector<16xi32>
    %add3A_159 = arith.addi %get3A_157, %add3A_158 : vector<16xi32>
    %swap3A_160 = arith.constant 1 : i32
    %swap3A_161 = arith.index_cast %swap3A_160 : i32 to index
    %swap3A_162 = arith.constant 48 : index
    %swap3A_163 = tpu.vector_load %arg5[%swap3A_161, %swap3A_162] {strides = array<i32>} : memref<4x128xi32, #tpu.memory_space<vmem>>, vector<1x16xi32>,
    %swap3A_164 = vector.shape_cast %swap3A_163 : vector<1x16xi32> to vector<16xi32>
    %swap3A_165 = vector.shape_cast %add3A_159 : vector<16xi32> to vector<1x16xi32>
    tpu.vector_store %arg5[%swap3A_161, %swap3A_162], %swap3A_165 {strides = array<i32>} : memref<4x128xi32, #tpu.memory_space<vmem>>, vector<1x16xi32>,
    %get3A_166 = arith.constant 1 : i32
    %get3A_167 = arith.index_cast %get3A_166 : i32 to index
    %get3A_168 = arith.constant 64 : index
    %get3A_169 = tpu.vector_load %arg5[%get3A_167, %get3A_168] {strides = array<i32>} : memref<4x128xi32, #tpu.memory_space<vmem>>, vector<1x16xi32>,
    %get3A_170 = vector.shape_cast %get3A_169 : vector<1x16xi32> to vector<16xi32>
    %add3A_171 = vector.broadcast %mul3A_11 : i32 to vector<16xi32>
    %add3A_172 = arith.addi %get3A_170, %add3A_171 : vector<16xi32>
    %swap3A_173 = arith.constant 1 : i32
    %swap3A_174 = arith.index_cast %swap3A_173 : i32 to index
    %swap3A_175 = arith.constant 64 : index
    %swap3A_176 = tpu.vector_load %arg5[%swap3A_174, %swap3A_175] {strides = array<i32>} : memref<4x128xi32, #tpu.memory_space<vmem>>, vector<1x16xi32>,
    %swap3A_177 = vector.shape_cast %swap3A_176 : vector<1x16xi32> to vector<16xi32>
    %swap3A_178 = vector.shape_cast %add3A_172 : vector<16xi32> to vector<1x16xi32>
    tpu.vector_store %arg5[%swap3A_174, %swap3A_175], %swap3A_178 {strides = array<i32>} : memref<4x128xi32, #tpu.memory_space<vmem>>, vector<1x16xi32>,
    %get3A_179 = arith.constant 1 : i32
    %get3A_180 = arith.index_cast %get3A_179 : i32 to index
    %get3A_181 = arith.constant 80 : index
    %get3A_182 = tpu.vector_load %arg5[%get3A_180, %get3A_181] {strides = array<i32>} : memref<4x128xi32, #tpu.memory_space<vmem>>, vector<1x16xi32>,
    %get3A_183 = vector.shape_cast %get3A_182 : vector<1x16xi32> to vector<16xi32>
    %add3A_184 = vector.broadcast %mul3A_11 : i32 to vector<16xi32>
    %add3A_185 = arith.addi %get3A_183, %add3A_184 : vector<16xi32>
    %swap3A_186 = arith.constant 1 : i32
    %swap3A_187 = arith.index_cast %swap3A_186 : i32 to index
    %swap3A_188 = arith.constant 80 : index
    %swap3A_189 = tpu.vector_load %arg5[%swap3A_187, %swap3A_188] {strides = array<i32>} : memref<4x128xi32, #tpu.memory_space<vmem>>, vector<1x16xi32>,
    %swap3A_190 = vector.shape_cast %swap3A_189 : vector<1x16xi32> to vector<16xi32>
    %swap3A_191 = vector.shape_cast %add3A_185 : vector<16xi32> to vector<1x16xi32>
    tpu.vector_store %arg5[%swap3A_187, %swap3A_188], %swap3A_191 {strides = array<i32>} : memref<4x128xi32, #tpu.memory_space<vmem>>, vector<1x16xi32>,
    %get3A_192 = arith.constant 1 : i32
    %get3A_193 = arith.index_cast %get3A_192 : i32 to index
    %get3A_194 = arith.constant 96 : index
    %get3A_195 = tpu.vector_load %arg5[%get3A_193, %get3A_194] {strides = array<i32>} : memref<4x128xi32, #tpu.memory_space<vmem>>, vector<1x16xi32>,
    %get3A_196 = vector.shape_cast %get3A_195 : vector<1x16xi32> to vector<16xi32>
    %add3A_197 = vector.broadcast %mul3A_11 : i32 to vector<16xi32>
    %add3A_198 = arith.addi %get3A_196, %add3A_197 : vector<16xi32>
    %swap3A_199 = arith.constant 1 : i32
    %swap3A_200 = arith.index_cast %swap3A_199 : i32 to index
    %swap3A_201 = arith.constant 96 : index
    %swap3A_202 = tpu.vector_load %arg5[%swap3A_200, %swap3A_201] {strides = array<i32>} : memref<4x128xi32, #tpu.memory_space<vmem>>, vector<1x16xi32>,
    %swap3A_203 = vector.shape_cast %swap3A_202 : vector<1x16xi32> to vector<16xi32>
    %swap3A_204 = vector.shape_cast %add3A_198 : vector<16xi32> to vector<1x16xi32>
    tpu.vector_store %arg5[%swap3A_200, %swap3A_201], %swap3A_204 {strides = array<i32>} : memref<4x128xi32, #tpu.memory_space<vmem>>, vector<1x16xi32>,
    %get3A_205 = arith.constant 1 : i32
    %get3A_206 = arith.index_cast %get3A_205 : i32 to index
    %get3A_207 = arith.constant 112 : index
    %get3A_208 = tpu.vector_load %arg5[%get3A_206, %get3A_207] {strides = array<i32>} : memref<4x128xi32, #tpu.memory_space<vmem>>, vector<1x16xi32>,
    %get3A_209 = vector.shape_cast %get3A_208 : vector<1x16xi32> to vector<16xi32>
    %add3A_210 = vector.broadcast %mul3A_11 : i32 to vector<16xi32>
    %add3A_211 = arith.addi %get3A_209, %add3A_210 : vector<16xi32>
    %swap3A_212 = arith.constant 1 : i32
    %swap3A_213 = arith.index_cast %swap3A_212 : i32 to index
    %swap3A_214 = arith.constant 112 : index
    %swap3A_215 = tpu.vector_load %arg5[%swap3A_213, %swap3A_214] {strides = array<i32>} : memref<4x128xi32, #tpu.memory_space<vmem>>, vector<1x16xi32>,
    %swap3A_216 = vector.shape_cast %swap3A_215 : vector<1x16xi32> to vector<16xi32>
    %swap3A_217 = vector.shape_cast %add3A_211 : vector<16xi32> to vector<1x16xi32>
    tpu.vector_store %arg5[%swap3A_213, %swap3A_214], %swap3A_217 {strides = array<i32>} : memref<4x128xi32, #tpu.memory_space<vmem>>, vector<1x16xi32>,
    %get3A_218 = arith.constant 2 : i32
    %get3A_219 = arith.index_cast %get3A_218 : i32 to index
    %get3A_220 = arith.constant 0 : index
    %get3A_221 = tpu.vector_load %arg5[%get3A_219, %get3A_220] {strides = array<i32>} : memref<4x128xi32, #tpu.memory_space<vmem>>, vector<1x16xi32>,
    %get3A_222 = vector.shape_cast %get3A_221 : vector<1x16xi32> to vector<16xi32>
    %add3A_223 = vector.broadcast %mul3A_11 : i32 to vector<16xi32>
    %add3A_224 = arith.addi %get3A_222, %add3A_223 : vector<16xi32>
    %swap3A_225 = arith.constant 2 : i32
    %swap3A_226 = arith.index_cast %swap3A_225 : i32 to index
    %swap3A_227 = arith.constant 0 : index
    %swap3A_228 = tpu.vector_load %arg5[%swap3A_226, %swap3A_227] {strides = array<i32>} : memref<4x128xi32, #tpu.memory_space<vmem>>, vector<1x16xi32>,
    %swap3A_229 = vector.shape_cast %swap3A_228 : vector<1x16xi32> to vector<16xi32>
    %swap3A_230 = vector.shape_cast %add3A_224 : vector<16xi32> to vector<1x16xi32>
    tpu.vector_store %arg5[%swap3A_226, %swap3A_227], %swap3A_230 {strides = array<i32>} : memref<4x128xi32, #tpu.memory_space<vmem>>, vector<1x16xi32>,
    %get3A_231 = arith.constant 2 : i32
    %get3A_232 = arith.index_cast %get3A_231 : i32 to index
    %get3A_233 = arith.constant 16 : index
    %get3A_234 = tpu.vector_load %arg5[%get3A_232, %get3A_233] {strides = array<i32>} : memref<4x128xi32, #tpu.memory_space<vmem>>, vector<1x16xi32>,
    %get3A_235 = vector.shape_cast %get3A_234 : vector<1x16xi32> to vector<16xi32>
    %add3A_236 = vector.broadcast %mul3A_11 : i32 to vector<16xi32>
    %add3A_237 = arith.addi %get3A_235, %add3A_236 : vector<16xi32>
    %swap3A_238 = arith.constant 2 : i32
    %swap3A_239 = arith.index_cast %swap3A_238 : i32 to index
    %swap3A_240 = arith.constant 16 : index
    %swap3A_241 = tpu.vector_load %arg5[%swap3A_239, %swap3A_240] {strides = array<i32>} : memref<4x128xi32, #tpu.memory_space<vmem>>, vector<1x16xi32>,
    %swap3A_242 = vector.shape_cast %swap3A_241 : vector<1x16xi32> to vector<16xi32>
    %swap3A_243 = vector.shape_cast %add3A_237 : vector<16xi32> to vector<1x16xi32>
    tpu.vector_store %arg5[%swap3A_239, %swap3A_240], %swap3A_243 {strides = array<i32>} : memref<4x128xi32, #tpu.memory_space<vmem>>, vector<1x16xi32>,
    %get3A_244 = arith.constant 2 : i32
    %get3A_245 = arith.index_cast %get3A_244 : i32 to index
    %get3A_246 = arith.constant 32 : index
    %get3A_247 = tpu.vector_load %arg5[%get3A_245, %get3A_246] {strides = array<i32>} : memref<4x128xi32, #tpu.memory_space<vmem>>, vector<1x16xi32>,
    %get3A_248 = vector.shape_cast %get3A_247 : vector<1x16xi32> to vector<16xi32>
    %add3A_249 = vector.broadcast %mul3A_11 : i32 to vector<16xi32>
    %add3A_250 = arith.addi %get3A_248, %add3A_249 : vector<16xi32>
    %swap3A_251 = arith.constant 2 : i32
    %swap3A_252 = arith.index_cast %swap3A_251 : i32 to index
    %swap3A_253 = arith.constant 32 : index
    %swap3A_254 = tpu.vector_load %arg5[%swap3A_252, %swap3A_253] {strides = array<i32>} : memref<4x128xi32, #tpu.memory_space<vmem>>, vector<1x16xi32>,
    %swap3A_255 = vector.shape_cast %swap3A_254 : vector<1x16xi32> to vector<16xi32>
    %swap3A_256 = vector.shape_cast %add3A_250 : vector<16xi32> to vector<1x16xi32>
    tpu.vector_store %arg5[%swap3A_252, %swap3A_253], %swap3A_256 {strides = array<i32>} : memref<4x128xi32, #tpu.memory_space<vmem>>, vector<1x16xi32>,
    %get3A_257 = arith.constant 2 : i32
    %get3A_258 = arith.index_cast %get3A_257 : i32 to index
    %get3A_259 = arith.constant 48 : index
    %get3A_260 = tpu.vector_load %arg5[%get3A_258, %get3A_259] {strides = array<i32>} : memref<4x128xi32, #tpu.memory_space<vmem>>, vector<1x16xi32>,
    %get3A_261 = vector.shape_cast %get3A_260 : vector<1x16xi32> to vector<16xi32>
    %add3A_262 = vector.broadcast %mul3A_11 : i32 to vector<16xi32>
    %add3A_263 = arith.addi %get3A_261, %add3A_262 : vector<16xi32>
    %swap3A_264 = arith.constant 2 : i32
    %swap3A_265 = arith.index_cast %swap3A_264 : i32 to index
    %swap3A_266 = arith.constant 48 : index
    %swap3A_267 = tpu.vector_load %arg5[%swap3A_265, %swap3A_266] {strides = array<i32>} : memref<4x128xi32, #tpu.memory_space<vmem>>, vector<1x16xi32>,
    %swap3A_268 = vector.shape_cast %swap3A_267 : vector<1x16xi32> to vector<16xi32>
    %swap3A_269 = vector.shape_cast %add3A_263 : vector<16xi32> to vector<1x16xi32>
    tpu.vector_store %arg5[%swap3A_265, %swap3A_266], %swap3A_269 {strides = array<i32>} : memref<4x128xi32, #tpu.memory_space<vmem>>, vector<1x16xi32>,
    %get3A_270 = arith.constant 2 : i32
    %get3A_271 = arith.index_cast %get3A_270 : i32 to index
    %get3A_272 = arith.constant 64 : index
    %get3A_273 = tpu.vector_load %arg5[%get3A_271, %get3A_272] {strides = array<i32>} : memref<4x128xi32, #tpu.memory_space<vmem>>, vector<1x16xi32>,
    %get3A_274 = vector.shape_cast %get3A_273 : vector<1x16xi32> to vector<16xi32>
    %add3A_275 = vector.broadcast %mul3A_11 : i32 to vector<16xi32>
    %add3A_276 = arith.addi %get3A_274, %add3A_275 : vector<16xi32>
    %swap3A_277 = arith.constant 2 : i32
    %swap3A_278 = arith.index_cast %swap3A_277 : i32 to index
    %swap3A_279 = arith.constant 64 : index
    %swap3A_280 = tpu.vector_load %arg5[%swap3A_278, %swap3A_279] {strides = array<i32>} : memref<4x128xi32, #tpu.memory_space<vmem>>, vector<1x16xi32>,
    %swap3A_281 = vector.shape_cast %swap3A_280 : vector<1x16xi32> to vector<16xi32>
    %swap3A_282 = vector.shape_cast %add3A_276 : vector<16xi32> to vector<1x16xi32>
    tpu.vector_store %arg5[%swap3A_278, %swap3A_279], %swap3A_282 {strides = array<i32>} : memref<4x128xi32, #tpu.memory_space<vmem>>, vector<1x16xi32>,
    %get3A_283 = arith.constant 2 : i32
    %get3A_284 = arith.index_cast %get3A_283 : i32 to index
    %get3A_285 = arith.constant 80 : index
    %get3A_286 = tpu.vector_load %arg5[%get3A_284, %get3A_285] {strides = array<i32>} : memref<4x128xi32, #tpu.memory_space<vmem>>, vector<1x16xi32>,
    %get3A_287 = vector.shape_cast %get3A_286 : vector<1x16xi32> to vector<16xi32>
    %add3A_288 = vector.broadcast %mul3A_11 : i32 to vector<16xi32>
    %add3A_289 = arith.addi %get3A_287, %add3A_288 : vector<16xi32>
    %swap3A_290 = arith.constant 2 : i32
    %swap3A_291 = arith.index_cast %swap3A_290 : i32 to index
    %swap3A_292 = arith.constant 80 : index
    %swap3A_293 = tpu.vector_load %arg5[%swap3A_291, %swap3A_292] {strides = array<i32>} : memref<4x128xi32, #tpu.memory_space<vmem>>, vector<1x16xi32>,
    %swap3A_294 = vector.shape_cast %swap3A_293 : vector<1x16xi32> to vector<16xi32>
    %swap3A_295 = vector.shape_cast %add3A_289 : vector<16xi32> to vector<1x16xi32>
    tpu.vector_store %arg5[%swap3A_291, %swap3A_292], %swap3A_295 {strides = array<i32>} : memref<4x128xi32, #tpu.memory_space<vmem>>, vector<1x16xi32>,
    %get3A_296 = arith.constant 2 : i32
    %get3A_297 = arith.index_cast %get3A_296 : i32 to index
    %get3A_298 = arith.constant 96 : index
    %get3A_299 = tpu.vector_load %arg5[%get3A_297, %get3A_298] {strides = array<i32>} : memref<4x128xi32, #tpu.memory_space<vmem>>, vector<1x16xi32>,
    %get3A_300 = vector.shape_cast %get3A_299 : vector<1x16xi32> to vector<16xi32>
    %add3A_301 = vector.broadcast %mul3A_11 : i32 to vector<16xi32>
    %add3A_302 = arith.addi %get3A_300, %add3A_301 : vector<16xi32>
    %swap3A_303 = arith.constant 2 : i32
    %swap3A_304 = arith.index_cast %swap3A_303 : i32 to index
    %swap3A_305 = arith.constant 96 : index
    %swap3A_306 = tpu.vector_load %arg5[%swap3A_304, %swap3A_305] {strides = array<i32>} : memref<4x128xi32, #tpu.memory_space<vmem>>, vector<1x16xi32>,
    %swap3A_307 = vector.shape_cast %swap3A_306 : vector<1x16xi32> to vector<16xi32>
    %swap3A_308 = vector.shape_cast %add3A_302 : vector<16xi32> to vector<1x16xi32>
    tpu.vector_store %arg5[%swap3A_304, %swap3A_305], %swap3A_308 {strides = array<i32>} : memref<4x128xi32, #tpu.memory_space<vmem>>, vector<1x16xi32>,
    %get3A_309 = arith.constant 2 : i32
    %get3A_310 = arith.index_cast %get3A_309 : i32 to index
    %get3A_311 = arith.constant 112 : index
    %get3A_312 = tpu.vector_load %arg5[%get3A_310, %get3A_311] {strides = array<i32>} : memref<4x128xi32, #tpu.memory_space<vmem>>, vector<1x16xi32>,
    %get3A_313 = vector.shape_cast %get3A_312 : vector<1x16xi32> to vector<16xi32>
    %add3A_314 = vector.broadcast %mul3A_11 : i32 to vector<16xi32>
    %add3A_315 = arith.addi %get3A_313, %add3A_314 : vector<16xi32>
    %swap3A_316 = arith.constant 2 : i32
    %swap3A_317 = arith.index_cast %swap3A_316 : i32 to index
    %swap3A_318 = arith.constant 112 : index
    %swap3A_319 = tpu.vector_load %arg5[%swap3A_317, %swap3A_318] {strides = array<i32>} : memref<4x128xi32, #tpu.memory_space<vmem>>, vector<1x16xi32>,
    %swap3A_320 = vector.shape_cast %swap3A_319 : vector<1x16xi32> to vector<16xi32>
    %swap3A_321 = vector.shape_cast %add3A_315 : vector<16xi32> to vector<1x16xi32>
    tpu.vector_store %arg5[%swap3A_317, %swap3A_318], %swap3A_321 {strides = array<i32>} : memref<4x128xi32, #tpu.memory_space<vmem>>, vector<1x16xi32>,
    %get3A_322 = arith.constant 3 : i32
    %get3A_323 = arith.index_cast %get3A_322 : i32 to index
    %get3A_324 = arith.constant 0 : index
    %get3A_325 = tpu.vector_load %arg5[%get3A_323, %get3A_324] {strides = array<i32>} : memref<4x128xi32, #tpu.memory_space<vmem>>, vector<1x16xi32>,
    %get3A_326 = vector.shape_cast %get3A_325 : vector<1x16xi32> to vector<16xi32>
    %add3A_327 = vector.broadcast %mul3A_11 : i32 to vector<16xi32>
    %add3A_328 = arith.addi %get3A_326, %add3A_327 : vector<16xi32>
    %swap3A_329 = arith.constant 3 : i32
    %swap3A_330 = arith.index_cast %swap3A_329 : i32 to index
    %swap3A_331 = arith.constant 0 : index
    %swap3A_332 = tpu.vector_load %arg5[%swap3A_330, %swap3A_331] {strides = array<i32>} : memref<4x128xi32, #tpu.memory_space<vmem>>, vector<1x16xi32>,
    %swap3A_333 = vector.shape_cast %swap3A_332 : vector<1x16xi32> to vector<16xi32>
    %swap3A_334 = vector.shape_cast %add3A_328 : vector<16xi32> to vector<1x16xi32>
    tpu.vector_store %arg5[%swap3A_330, %swap3A_331], %swap3A_334 {strides = array<i32>} : memref<4x128xi32, #tpu.memory_space<vmem>>, vector<1x16xi32>,
    %get3A_335 = arith.constant 3 : i32
    %get3A_336 = arith.index_cast %get3A_335 : i32 to index
    %get3A_337 = arith.constant 16 : index
    %get3A_338 = tpu.vector_load %arg5[%get3A_336, %get3A_337] {strides = array<i32>} : memref<4x128xi32, #tpu.memory_space<vmem>>, vector<1x16xi32>,
    %get3A_339 = vector.shape_cast %get3A_338 : vector<1x16xi32> to vector<16xi32>
    %add3A_340 = vector.broadcast %mul3A_11 : i32 to vector<16xi32>
    %add3A_341 = arith.addi %get3A_339, %add3A_340 : vector<16xi32>
    %swap3A_342 = arith.constant 3 : i32
    %swap3A_343 = arith.index_cast %swap3A_342 : i32 to index
    %swap3A_344 = arith.constant 16 : index
    %swap3A_345 = tpu.vector_load %arg5[%swap3A_343, %swap3A_344] {strides = array<i32>} : memref<4x128xi32, #tpu.memory_space<vmem>>, vector<1x16xi32>,
    %swap3A_346 = vector.shape_cast %swap3A_345 : vector<1x16xi32> to vector<16xi32>
    %swap3A_347 = vector.shape_cast %add3A_341 : vector<16xi32> to vector<1x16xi32>
    tpu.vector_store %arg5[%swap3A_343, %swap3A_344], %swap3A_347 {strides = array<i32>} : memref<4x128xi32, #tpu.memory_space<vmem>>, vector<1x16xi32>,
    %get3A_348 = arith.constant 3 : i32
    %get3A_349 = arith.index_cast %get3A_348 : i32 to index
    %get3A_350 = arith.constant 32 : index
    %get3A_351 = tpu.vector_load %arg5[%get3A_349, %get3A_350] {strides = array<i32>} : memref<4x128xi32, #tpu.memory_space<vmem>>, vector<1x16xi32>,
    %get3A_352 = vector.shape_cast %get3A_351 : vector<1x16xi32> to vector<16xi32>
    %add3A_353 = vector.broadcast %mul3A_11 : i32 to vector<16xi32>
    %add3A_354 = arith.addi %get3A_352, %add3A_353 : vector<16xi32>
    %swap3A_355 = arith.constant 3 : i32
    %swap3A_356 = arith.index_cast %swap3A_355 : i32 to index
    %swap3A_357 = arith.constant 32 : index
    %swap3A_358 = tpu.vector_load %arg5[%swap3A_356, %swap3A_357] {strides = array<i32>} : memref<4x128xi32, #tpu.memory_space<vmem>>, vector<1x16xi32>,
    %swap3A_359 = vector.shape_cast %swap3A_358 : vector<1x16xi32> to vector<16xi32>
    %swap3A_360 = vector.shape_cast %add3A_354 : vector<16xi32> to vector<1x16xi32>
    tpu.vector_store %arg5[%swap3A_356, %swap3A_357], %swap3A_360 {strides = array<i32>} : memref<4x128xi32, #tpu.memory_space<vmem>>, vector<1x16xi32>,
    %get3A_361 = arith.constant 3 : i32
    %get3A_362 = arith.index_cast %get3A_361 : i32 to index
    %get3A_363 = arith.constant 48 : index
    %get3A_364 = tpu.vector_load %arg5[%get3A_362, %get3A_363] {strides = array<i32>} : memref<4x128xi32, #tpu.memory_space<vmem>>, vector<1x16xi32>,
    %get3A_365 = vector.shape_cast %get3A_364 : vector<1x16xi32> to vector<16xi32>
    %add3A_366 = vector.broadcast %mul3A_11 : i32 to vector<16xi32>
    %add3A_367 = arith.addi %get3A_365, %add3A_366 : vector<16xi32>
    %swap3A_368 = arith.constant 3 : i32
    %swap3A_369 = arith.index_cast %swap3A_368 : i32 to index
    %swap3A_370 = arith.constant 48 : index
    %swap3A_371 = tpu.vector_load %arg5[%swap3A_369, %swap3A_370] {strides = array<i32>} : memref<4x128xi32, #tpu.memory_space<vmem>>, vector<1x16xi32>,
    %swap3A_372 = vector.shape_cast %swap3A_371 : vector<1x16xi32> to vector<16xi32>
    %swap3A_373 = vector.shape_cast %add3A_367 : vector<16xi32> to vector<1x16xi32>
    tpu.vector_store %arg5[%swap3A_369, %swap3A_370], %swap3A_373 {strides = array<i32>} : memref<4x128xi32, #tpu.memory_space<vmem>>, vector<1x16xi32>,
    %get3A_374 = arith.constant 3 : i32
    %get3A_375 = arith.index_cast %get3A_374 : i32 to index
    %get3A_376 = arith.constant 64 : index
    %get3A_377 = tpu.vector_load %arg5[%get3A_375, %get3A_376] {strides = array<i32>} : memref<4x128xi32, #tpu.memory_space<vmem>>, vector<1x16xi32>,
    %get3A_378 = vector.shape_cast %get3A_377 : vector<1x16xi32> to vector<16xi32>
    %add3A_379 = vector.broadcast %mul3A_11 : i32 to vector<16xi32>
    %add3A_380 = arith.addi %get3A_378, %add3A_379 : vector<16xi32>
    %swap3A_381 = arith.constant 3 : i32
    %swap3A_382 = arith.index_cast %swap3A_381 : i32 to index
    %swap3A_383 = arith.constant 64 : index
    %swap3A_384 = tpu.vector_load %arg5[%swap3A_382, %swap3A_383] {strides = array<i32>} : memref<4x128xi32, #tpu.memory_space<vmem>>, vector<1x16xi32>,
    %swap3A_385 = vector.shape_cast %swap3A_384 : vector<1x16xi32> to vector<16xi32>
    %swap3A_386 = vector.shape_cast %add3A_380 : vector<16xi32> to vector<1x16xi32>
    tpu.vector_store %arg5[%swap3A_382, %swap3A_383], %swap3A_386 {strides = array<i32>} : memref<4x128xi32, #tpu.memory_space<vmem>>, vector<1x16xi32>,
    %get3A_387 = arith.constant 3 : i32
    %get3A_388 = arith.index_cast %get3A_387 : i32 to index
    %get3A_389 = arith.constant 80 : index
    %get3A_390 = tpu.vector_load %arg5[%get3A_388, %get3A_389] {strides = array<i32>} : memref<4x128xi32, #tpu.memory_space<vmem>>, vector<1x16xi32>,
    %get3A_391 = vector.shape_cast %get3A_390 : vector<1x16xi32> to vector<16xi32>
    %add3A_392 = vector.broadcast %mul3A_11 : i32 to vector<16xi32>
    %add3A_393 = arith.addi %get3A_391, %add3A_392 : vector<16xi32>
    %swap3A_394 = arith.constant 3 : i32
    %swap3A_395 = arith.index_cast %swap3A_394 : i32 to index
    %swap3A_396 = arith.constant 80 : index
    %swap3A_397 = tpu.vector_load %arg5[%swap3A_395, %swap3A_396] {strides = array<i32>} : memref<4x128xi32, #tpu.memory_space<vmem>>, vector<1x16xi32>,
    %swap3A_398 = vector.shape_cast %swap3A_397 : vector<1x16xi32> to vector<16xi32>
    %swap3A_399 = vector.shape_cast %add3A_393 : vector<16xi32> to vector<1x16xi32>
    tpu.vector_store %arg5[%swap3A_395, %swap3A_396], %swap3A_399 {strides = array<i32>} : memref<4x128xi32, #tpu.memory_space<vmem>>, vector<1x16xi32>,
    %get3A_400 = arith.constant 3 : i32
    %get3A_401 = arith.index_cast %get3A_400 : i32 to index
    %get3A_402 = arith.constant 96 : index
    %get3A_403 = tpu.vector_load %arg5[%get3A_401, %get3A_402] {strides = array<i32>} : memref<4x128xi32, #tpu.memory_space<vmem>>, vector<1x16xi32>,
    %get3A_404 = vector.shape_cast %get3A_403 : vector<1x16xi32> to vector<16xi32>
    %add3A_405 = vector.broadcast %mul3A_11 : i32 to vector<16xi32>
    %add3A_406 = arith.addi %get3A_404, %add3A_405 : vector<16xi32>
    %swap3A_407 = arith.constant 3 : i32
    %swap3A_408 = arith.index_cast %swap3A_407 : i32 to index
    %swap3A_409 = arith.constant 96 : index
    %swap3A_410 = tpu.vector_load %arg5[%swap3A_408, %swap3A_409] {strides = array<i32>} : memref<4x128xi32, #tpu.memory_space<vmem>>, vector<1x16xi32>,
    %swap3A_411 = vector.shape_cast %swap3A_410 : vector<1x16xi32> to vector<16xi32>
    %swap3A_412 = vector.shape_cast %add3A_406 : vector<16xi32> to vector<1x16xi32>
    tpu.vector_store %arg5[%swap3A_408, %swap3A_409], %swap3A_412 {strides = array<i32>} : memref<4x128xi32, #tpu.memory_space<vmem>>, vector<1x16xi32>,
    %get3A_413 = arith.constant 3 : i32
    %get3A_414 = arith.index_cast %get3A_413 : i32 to index
    %get3A_415 = arith.constant 112 : index
    %get3A_416 = tpu.vector_load %arg5[%get3A_414, %get3A_415] {strides = array<i32>} : memref<4x128xi32, #tpu.memory_space<vmem>>, vector<1x16xi32>,
    %get3A_417 = vector.shape_cast %get3A_416 : vector<1x16xi32> to vector<16xi32>
    %add3A_418 = vector.broadcast %mul3A_11 : i32 to vector<16xi32>
    %add3A_419 = arith.addi %get3A_417, %add3A_418 : vector<16xi32>
    %swap3A_420 = arith.constant 3 : i32
    %swap3A_421 = arith.index_cast %swap3A_420 : i32 to index
    %swap3A_422 = arith.constant 112 : index
    %swap3A_423 = tpu.vector_load %arg5[%swap3A_421, %swap3A_422] {strides = array<i32>} : memref<4x128xi32, #tpu.memory_space<vmem>>, vector<1x16xi32>,
    %swap3A_424 = vector.shape_cast %swap3A_423 : vector<1x16xi32> to vector<16xi32>
    %swap3A_425 = vector.shape_cast %add3A_419 : vector<16xi32> to vector<1x16xi32>
    tpu.vector_store %arg5[%swap3A_421, %swap3A_422], %swap3A_425 {strides = array<i32>} : memref<4x128xi32, #tpu.memory_space<vmem>>, vector<1x16xi32>,
    %dma_start3A = arith.constant 0 : i32
    %dma_start3A_426 = arith.constant 0 : i32
    %dma_start3A_427 = arith.constant 0 : i32
    %dma_start3A_428 = tpu.memref_slice %arg6[%dma_start3A_426, %dma_start3A_427] : memref<512x128xf32, #tpu.memory_space<vmem>> -> memref<128x128xf32, #tpu.memory_space<vmem>>
    %dma_start3A_429 = arith.constant 0 : i32
    %dma_start3A_430 = tpu.memref_slice %arg5[%dma_start3A, %dma_start3A_429] : memref<4x128xi32, #tpu.memory_space<vmem>> -> memref<1x128xi32, #tpu.memory_space<vmem>>
    %dma_start3A_431 = tpu.memref_squeeze %dma_start3A_430 : memref<1x128xi32, #tpu.memory_space<vmem>> -> memref<128xi32, #tpu.memory_space<vmem>>
    %dma_start3A_432 = arith.constant 0 : i32
    %dma_start3A_433 = arith.constant 0 : i32
    %dma_start3A_434 = tpu.memref_slice %arg2[%dma_start3A_432, %dma_start3A_433] : memref<4352x128xf32, #tpu.memory_space<hbm>> -> memref<4352x128xf32, #tpu.memory_space<hbm>>
    tpu.enqueue_indirect_dma source(%dma_start3A_434 : memref<4352x128xf32, #tpu.memory_space<hbm>>) target(%dma_start3A_428 : memref<128x128xf32, #tpu.memory_space<vmem>>) offsets(%dma_start3A_431 : memref<128xi32, #tpu.memory_space<vmem>>) semaphore(%arg7 : memref<!tpu.dma_semaphore, #tpu.memory_space<semaphore_mem>>)
    %dma_start3A_435 = arith.constant 1 : i32
    %dma_start3A_436 = arith.constant 128 : i32
    %dma_start3A_437 = arith.constant 0 : i32
    %dma_start3A_438 = tpu.memref_slice %arg6[%dma_start3A_436, %dma_start3A_437] : memref<512x128xf32, #tpu.memory_space<vmem>> -> memref<128x128xf32, #tpu.memory_space<vmem>>
    %dma_start3A_439 = arith.constant 0 : i32
    %dma_start3A_440 = tpu.memref_slice %arg5[%dma_start3A_435, %dma_start3A_439] : memref<4x128xi32, #tpu.memory_space<vmem>> -> memref<1x128xi32, #tpu.memory_space<vmem>>
    %dma_start3A_441 = tpu.memref_squeeze %dma_start3A_440 : memref<1x128xi32, #tpu.memory_space<vmem>> -> memref<128xi32, #tpu.memory_space<vmem>>
    %dma_start3A_442 = arith.constant 0 : i32
    %dma_start3A_443 = arith.constant 0 : i32
    %dma_start3A_444 = tpu.memref_slice %arg2[%dma_start3A_442, %dma_start3A_443] : memref<4352x128xf32, #tpu.memory_space<hbm>> -> memref<4352x128xf32, #tpu.memory_space<hbm>>
    tpu.enqueue_indirect_dma source(%dma_start3A_444 : memref<4352x128xf32, #tpu.memory_space<hbm>>) target(%dma_start3A_438 : memref<128x128xf32, #tpu.memory_space<vmem>>) offsets(%dma_start3A_441 : memref<128xi32, #tpu.memory_space<vmem>>) semaphore(%arg7 : memref<!tpu.dma_semaphore, #tpu.memory_space<semaphore_mem>>)
    %dma_start3A_445 = arith.constant 2 : i32
    %dma_start3A_446 = arith.constant 256 : i32
    %dma_start3A_447 = arith.constant 0 : i32
    %dma_start3A_448 = tpu.memref_slice %arg6[%dma_start3A_446, %dma_start3A_447] : memref<512x128xf32, #tpu.memory_space<vmem>> -> memref<128x128xf32, #tpu.memory_space<vmem>>
    %dma_start3A_449 = arith.constant 0 : i32
    %dma_start3A_450 = tpu.memref_slice %arg5[%dma_start3A_445, %dma_start3A_449] : memref<4x128xi32, #tpu.memory_space<vmem>> -> memref<1x128xi32, #tpu.memory_space<vmem>>
    %dma_start3A_451 = tpu.memref_squeeze %dma_start3A_450 : memref<1x128xi32, #tpu.memory_space<vmem>> -> memref<128xi32, #tpu.memory_space<vmem>>
    %dma_start3A_452 = arith.constant 0 : i32
    %dma_start3A_453 = arith.constant 0 : i32
    %dma_start3A_454 = tpu.memref_slice %arg2[%dma_start3A_452, %dma_start3A_453] : memref<4352x128xf32, #tpu.memory_space<hbm>> -> memref<4352x128xf32, #tpu.memory_space<hbm>>
    tpu.enqueue_indirect_dma source(%dma_start3A_454 : memref<4352x128xf32, #tpu.memory_space<hbm>>) target(%dma_start3A_448 : memref<128x128xf32, #tpu.memory_space<vmem>>) offsets(%dma_start3A_451 : memref<128xi32, #tpu.memory_space<vmem>>) semaphore(%arg7 : memref<!tpu.dma_semaphore, #tpu.memory_space<semaphore_mem>>)
    %dma_start3A_455 = arith.constant 3 : i32
    %dma_start3A_456 = arith.constant 384 : i32
    %dma_start3A_457 = arith.constant 0 : i32
    %dma_start3A_458 = tpu.memref_slice %arg6[%dma_start3A_456, %dma_start3A_457] : memref<512x128xf32, #tpu.memory_space<vmem>> -> memref<128x128xf32, #tpu.memory_space<vmem>>
    %dma_start3A_459 = arith.constant 0 : i32
    %dma_start3A_460 = tpu.memref_slice %arg5[%dma_start3A_455, %dma_start3A_459] : memref<4x128xi32, #tpu.memory_space<vmem>> -> memref<1x128xi32, #tpu.memory_space<vmem>>
    %dma_start3A_461 = tpu.memref_squeeze %dma_start3A_460 : memref<1x128xi32, #tpu.memory_space<vmem>> -> memref<128xi32, #tpu.memory_space<vmem>>
    %dma_start3A_462 = arith.constant 0 : i32
    %dma_start3A_463 = arith.constant 0 : i32
    %dma_start3A_464 = tpu.memref_slice %arg2[%dma_start3A_462, %dma_start3A_463] : memref<4352x128xf32, #tpu.memory_space<hbm>> -> memref<4352x128xf32, #tpu.memory_space<hbm>>
    tpu.enqueue_indirect_dma source(%dma_start3A_464 : memref<4352x128xf32, #tpu.memory_space<hbm>>) target(%dma_start3A_458 : memref<128x128xf32, #tpu.memory_space<vmem>>) offsets(%dma_start3A_461 : memref<128xi32, #tpu.memory_space<vmem>>) semaphore(%arg7 : memref<!tpu.dma_semaphore, #tpu.memory_space<semaphore_mem>>)
    %dma_wait3A = arith.constant 0 : i32
    %dma_wait3A_465 = arith.constant 0 : i32
    %dma_wait3A_466 = arith.constant 0 : i32
    %dma_wait3A_467 = tpu.memref_slice %arg6[%dma_wait3A_465, %dma_wait3A_466] : memref<512x128xf32, #tpu.memory_space<vmem>> -> memref<128x128xf32, #tpu.memory_space<vmem>>
    %dma_wait3A_468 = arith.constant 0 : i32
    %dma_wait3A_469 = tpu.memref_slice %arg5[%dma_wait3A, %dma_wait3A_468] : memref<4x128xi32, #tpu.memory_space<vmem>> -> memref<1x128xi32, #tpu.memory_space<vmem>>
    %dma_wait3A_470 = tpu.memref_squeeze %dma_wait3A_469 : memref<1x128xi32, #tpu.memory_space<vmem>> -> memref<128xi32, #tpu.memory_space<vmem>>
    %dma_wait3A_471 = arith.constant 0 : i32
    %dma_wait3A_472 = arith.constant 0 : i32
    %dma_wait3A_473 = tpu.memref_slice %arg2[%dma_wait3A_471, %dma_wait3A_472] : memref<4352x128xf32, #tpu.memory_space<hbm>> -> memref<4352x128xf32, #tpu.memory_space<hbm>>
    tpu.wait_indirect_dma semaphore(%arg7 : memref<!tpu.dma_semaphore, #tpu.memory_space<semaphore_mem>>) src(%dma_wait3A_473 : memref<4352x128xf32, #tpu.memory_space<hbm>>) dst(%dma_wait3A_467 : memref<128x128xf32, #tpu.memory_space<vmem>>)
    %dma_wait3A_474 = arith.constant 1 : i32
    %dma_wait3A_475 = arith.constant 128 : i32
    %dma_wait3A_476 = arith.constant 0 : i32
    %dma_wait3A_477 = tpu.memref_slice %arg6[%dma_wait3A_475, %dma_wait3A_476] : memref<512x128xf32, #tpu.memory_space<vmem>> -> memref<128x128xf32, #tpu.memory_space<vmem>>
    %dma_wait3A_478 = arith.constant 0 : i32
    %dma_wait3A_479 = tpu.memref_slice %arg5[%dma_wait3A_474, %dma_wait3A_478] : memref<4x128xi32, #tpu.memory_space<vmem>> -> memref<1x128xi32, #tpu.memory_space<vmem>>
    %dma_wait3A_480 = tpu.memref_squeeze %dma_wait3A_479 : memref<1x128xi32, #tpu.memory_space<vmem>> -> memref<128xi32, #tpu.memory_space<vmem>>
    %dma_wait3A_481 = arith.constant 0 : i32
    %dma_wait3A_482 = arith.constant 0 : i32
    %dma_wait3A_483 = tpu.memref_slice %arg2[%dma_wait3A_481, %dma_wait3A_482] : memref<4352x128xf32, #tpu.memory_space<hbm>> -> memref<4352x128xf32, #tpu.memory_space<hbm>>
    tpu.wait_indirect_dma semaphore(%arg7 : memref<!tpu.dma_semaphore, #tpu.memory_space<semaphore_mem>>) src(%dma_wait3A_483 : memref<4352x128xf32, #tpu.memory_space<hbm>>) dst(%dma_wait3A_477 : memref<128x128xf32, #tpu.memory_space<vmem>>)
    %dma_start3A_484 = arith.constant 0 : i32
    %dma_start3A_485 = arith.constant 0 : i32
    %dma_start3A_486 = tpu.memref_slice %arg6[%dma_start3A_484, %dma_start3A_485] : memref<512x128xf32, #tpu.memory_space<vmem>> -> memref<256x128xf32, #tpu.memory_space<vmem>>
    %dma_start3A_487 = arith.constant 0 : i32
    %dma_start3A_488 = arith.constant 0 : i32
    %dma_start3A_489 = tpu.memref_slice %arg4[%add3A, %dma_start3A_487, %dma_start3A_488] : memref<32x512x128xf32, #tpu.memory_space<hbm>> -> memref<1x256x128xf32, #tpu.memory_space<hbm>>
    %dma_start3A_490 = tpu.memref_squeeze %dma_start3A_489 : memref<1x256x128xf32, #tpu.memory_space<hbm>> -> memref<256x128xf32, #tpu.memory_space<hbm>>
    %dma_start3A_491 = arith.constant 0 : i32
    %dma_start3A_492 = arith.constant 0 : i32
    %dma_start3A_493 = tpu.memref_slice %arg4[%add3A, %dma_start3A_491, %dma_start3A_492] : memref<32x512x128xf32, #tpu.memory_space<hbm>> -> memref<1x256x128xf32, #tpu.memory_space<hbm>>
    %dma_start3A_494 = tpu.memref_squeeze %dma_start3A_493 : memref<1x256x128xf32, #tpu.memory_space<hbm>> -> memref<256x128xf32, #tpu.memory_space<hbm>>
    %dma_start3A_495 = arith.constant 0 : i32
    %dma_start3A_496 = arith.constant 0 : i32
    %dma_start3A_497 = tpu.memref_slice %arg6[%dma_start3A_495, %dma_start3A_496] : memref<512x128xf32, #tpu.memory_space<vmem>> -> memref<256x128xf32, #tpu.memory_space<vmem>>
    tpu.enqueue_dma source(%dma_start3A_497 : memref<256x128xf32, #tpu.memory_space<vmem>>) target(%dma_start3A_494 : memref<256x128xf32, #tpu.memory_space<hbm>>) target_semaphore(%arg8 : memref<!tpu.dma_semaphore, #tpu.memory_space<semaphore_mem>>)
    %dma_wait3A_498 = arith.constant 2 : i32
    %dma_wait3A_499 = arith.constant 256 : i32
    %dma_wait3A_500 = arith.constant 0 : i32
    %dma_wait3A_501 = tpu.memref_slice %arg6[%dma_wait3A_499, %dma_wait3A_500] : memref<512x128xf32, #tpu.memory_space<vmem>> -> memref<128x128xf32, #tpu.memory_space<vmem>>
    %dma_wait3A_502 = arith.constant 0 : i32
    %dma_wait3A_503 = tpu.memref_slice %arg5[%dma_wait3A_498, %dma_wait3A_502] : memref<4x128xi32, #tpu.memory_space<vmem>> -> memref<1x128xi32, #tpu.memory_space<vmem>>
    %dma_wait3A_504 = tpu.memref_squeeze %dma_wait3A_503 : memref<1x128xi32, #tpu.memory_space<vmem>> -> memref<128xi32, #tpu.memory_space<vmem>>
    %dma_wait3A_505 = arith.constant 0 : i32
    %dma_wait3A_506 = arith.constant 0 : i32
    %dma_wait3A_507 = tpu.memref_slice %arg2[%dma_wait3A_505, %dma_wait3A_506] : memref<4352x128xf32, #tpu.memory_space<hbm>> -> memref<4352x128xf32, #tpu.memory_space<hbm>>
    tpu.wait_indirect_dma semaphore(%arg7 : memref<!tpu.dma_semaphore, #tpu.memory_space<semaphore_mem>>) src(%dma_wait3A_507 : memref<4352x128xf32, #tpu.memory_space<hbm>>) dst(%dma_wait3A_501 : memref<128x128xf32, #tpu.memory_space<vmem>>)
    %dma_wait3A_508 = arith.constant 3 : i32
    %dma_wait3A_509 = arith.constant 384 : i32
    %dma_wait3A_510 = arith.constant 0 : i32
    %dma_wait3A_511 = tpu.memref_slice %arg6[%dma_wait3A_509, %dma_wait3A_510] : memref<512x128xf32, #tpu.memory_space<vmem>> -> memref<128x128xf32, #tpu.memory_space<vmem>>
    %dma_wait3A_512 = arith.constant 0 : i32
    %dma_wait3A_513 = tpu.memref_slice %arg5[%dma_wait3A_508, %dma_wait3A_512] : memref<4x128xi32, #tpu.memory_space<vmem>> -> memref<1x128xi32, #tpu.memory_space<vmem>>
    %dma_wait3A_514 = tpu.memref_squeeze %dma_wait3A_513 : memref<1x128xi32, #tpu.memory_space<vmem>> -> memref<128xi32, #tpu.memory_space<vmem>>
    %dma_wait3A_515 = arith.constant 0 : i32
    %dma_wait3A_516 = arith.constant 0 : i32
    %dma_wait3A_517 = tpu.memref_slice %arg2[%dma_wait3A_515, %dma_wait3A_516] : memref<4352x128xf32, #tpu.memory_space<hbm>> -> memref<4352x128xf32, #tpu.memory_space<hbm>>
    tpu.wait_indirect_dma semaphore(%arg7 : memref<!tpu.dma_semaphore, #tpu.memory_space<semaphore_mem>>) src(%dma_wait3A_517 : memref<4352x128xf32, #tpu.memory_space<hbm>>) dst(%dma_wait3A_511 : memref<128x128xf32, #tpu.memory_space<vmem>>)
    %dma_start3A_518 = arith.constant 256 : i32
    %dma_start3A_519 = arith.constant 0 : i32
    %dma_start3A_520 = tpu.memref_slice %arg6[%dma_start3A_518, %dma_start3A_519] : memref<512x128xf32, #tpu.memory_space<vmem>> -> memref<256x128xf32, #tpu.memory_space<vmem>>
    %dma_start3A_521 = arith.constant 256 : i32
    %dma_start3A_522 = arith.constant 0 : i32
    %dma_start3A_523 = tpu.memref_slice %arg4[%add3A, %dma_start3A_521, %dma_start3A_522] : memref<32x512x128xf32, #tpu.memory_space<hbm>> -> memref<1x256x128xf32, #tpu.memory_space<hbm>>
    %dma_start3A_524 = tpu.memref_squeeze %dma_start3A_523 : memref<1x256x128xf32, #tpu.memory_space<hbm>> -> memref<256x128xf32, #tpu.memory_space<hbm>>
    %dma_start3A_525 = arith.constant 256 : i32
    %dma_start3A_526 = arith.constant 0 : i32
    %dma_start3A_527 = tpu.memref_slice %arg4[%add3A, %dma_start3A_525, %dma_start3A_526] : memref<32x512x128xf32, #tpu.memory_space<hbm>> -> memref<1x256x128xf32, #tpu.memory_space<hbm>>
    %dma_start3A_528 = tpu.memref_squeeze %dma_start3A_527 : memref<1x256x128xf32, #tpu.memory_space<hbm>> -> memref<256x128xf32, #tpu.memory_space<hbm>>
    %dma_start3A_529 = arith.constant 256 : i32
    %dma_start3A_530 = arith.constant 0 : i32
    %dma_start3A_531 = tpu.memref_slice %arg6[%dma_start3A_529, %dma_start3A_530] : memref<512x128xf32, #tpu.memory_space<vmem>> -> memref<256x128xf32, #tpu.memory_space<vmem>>
    tpu.enqueue_dma source(%dma_start3A_531 : memref<256x128xf32, #tpu.memory_space<vmem>>) target(%dma_start3A_528 : memref<256x128xf32, #tpu.memory_space<hbm>>) target_semaphore(%arg8 : memref<!tpu.dma_semaphore, #tpu.memory_space<semaphore_mem>>)
    %dma_wait3A_532 = arith.constant 0 : i32
    %dma_wait3A_533 = arith.constant 0 : i32
    %dma_wait3A_534 = tpu.memref_slice %arg6[%dma_wait3A_532, %dma_wait3A_533] : memref<512x128xf32, #tpu.memory_space<vmem>> -> memref<256x128xf32, #tpu.memory_space<vmem>>
    %dma_wait3A_535 = arith.constant 0 : i32
    %dma_wait3A_536 = arith.constant 0 : i32
    %dma_wait3A_537 = tpu.memref_slice %arg4[%add3A, %dma_wait3A_535, %dma_wait3A_536] : memref<32x512x128xf32, #tpu.memory_space<hbm>> -> memref<1x256x128xf32, #tpu.memory_space<hbm>>
    %dma_wait3A_538 = tpu.memref_squeeze %dma_wait3A_537 : memref<1x256x128xf32, #tpu.memory_space<hbm>> -> memref<256x128xf32, #tpu.memory_space<hbm>>
    %dma_wait3A_539 = arith.constant 0 : i32
    %dma_wait3A_540 = arith.constant 0 : i32
    %dma_wait3A_541 = tpu.memref_slice %arg4[%add3A, %dma_wait3A_539, %dma_wait3A_540] : memref<32x512x128xf32, #tpu.memory_space<hbm>> -> memref<1x256x128xf32, #tpu.memory_space<hbm>>
    %dma_wait3A_542 = tpu.memref_squeeze %dma_wait3A_541 : memref<1x256x128xf32, #tpu.memory_space<hbm>> -> memref<256x128xf32, #tpu.memory_space<hbm>>
    %dma_wait3A_543 = arith.constant 0 : i32
    %dma_wait3A_544 = arith.constant 0 : i32
    %dma_wait3A_545 = tpu.memref_slice %arg6[%dma_wait3A_543, %dma_wait3A_544] : memref<512x128xf32, #tpu.memory_space<vmem>> -> memref<256x128xf32, #tpu.memory_space<vmem>>
    tpu.wait_dma2 semaphore(%arg8 : memref<!tpu.dma_semaphore, #tpu.memory_space<semaphore_mem>>) src(%dma_wait3A_545 : memref<256x128xf32, #tpu.memory_space<vmem>>) dst(%dma_wait3A_542 : memref<256x128xf32, #tpu.memory_space<hbm>>)
    %dma_wait3A_546 = arith.constant 256 : i32
    %dma_wait3A_547 = arith.constant 0 : i32
    %dma_wait3A_548 = tpu.memref_slice %arg6[%dma_wait3A_546, %dma_wait3A_547] : memref<512x128xf32, #tpu.memory_space<vmem>> -> memref<256x128xf32, #tpu.memory_space<vmem>>
    %dma_wait3A_549 = arith.constant 256 : i32
    %dma_wait3A_550 = arith.constant 0 : i32
    %dma_wait3A_551 = tpu.memref_slice %arg4[%add3A, %dma_wait3A_549, %dma_wait3A_550] : memref<32x512x128xf32, #tpu.memory_space<hbm>> -> memref<1x256x128xf32, #tpu.memory_space<hbm>>
    %dma_wait3A_552 = tpu.memref_squeeze %dma_wait3A_551 : memref<1x256x128xf32, #tpu.memory_space<hbm>> -> memref<256x128xf32, #tpu.memory_space<hbm>>
    %dma_wait3A_553 = arith.constant 256 : i32
    %dma_wait3A_554 = arith.constant 0 : i32
    %dma_wait3A_555 = tpu.memref_slice %arg4[%add3A, %dma_wait3A_553, %dma_wait3A_554] : memref<32x512x128xf32, #tpu.memory_space<hbm>> -> memref<1x256x128xf32, #tpu.memory_space<hbm>>
    %dma_wait3A_556 = tpu.memref_squeeze %dma_wait3A_555 : memref<1x256x128xf32, #tpu.memory_space<hbm>> -> memref<256x128xf32, #tpu.memory_space<hbm>>
    %dma_wait3A_557 = arith.constant 256 : i32
    %dma_wait3A_558 = arith.constant 0 : i32
    %dma_wait3A_559 = tpu.memref_slice %arg6[%dma_wait3A_557, %dma_wait3A_558] : memref<512x128xf32, #tpu.memory_space<vmem>> -> memref<256x128xf32, #tpu.memory_space<vmem>>
    tpu.wait_dma2 semaphore(%arg8 : memref<!tpu.dma_semaphore, #tpu.memory_space<semaphore_mem>>) src(%dma_wait3A_559 : memref<256x128xf32, #tpu.memory_space<vmem>>) dst(%dma_wait3A_556 : memref<256x128xf32, #tpu.memory_space<hbm>>)
    return
  }
}

module attributes {stable_mosaic.version = 14 : i64} {
  func.func @_table_body(%arg0: memref<2x128xf32, #tpu.memory_space<vmem>>, %arg1: memref<64x128xf32, #tpu.memory_space<vmem>>, %arg2: memref<127x128xf32, #tpu.memory_space<vmem>>, %arg3: memref<128x256xf32, #tpu.memory_space<vmem>>, %arg4: memref<1x128xf32, #tpu.memory_space<vmem>>, %arg5: memref<128x256xf32, #tpu.memory_space<vmem>>, %arg6: memref<1x128xf32, #tpu.memory_space<vmem>>, %arg7: memref<1x128xf32, #tpu.memory_space<vmem>>, %arg8: memref<4352x128xf32, #tpu.memory_space<vmem>>) attributes {dimension_semantics = [], scalar_prefetch = 0 : i64, scratch_operands = 0 : i64, tpu.core_type = #tpu.core_type<tc>} {
    %iota3A = tpu.iota {dimensions = array<i32: 0>} : vector<128x1xi32>
    %jit3A = arith.constant 64 : i32
    %eq3A = arith.constant 0 : i32
    %eq3A_0 = arith.cmpi eq, %jit3A, %eq3A : i32
    %jit3A_1 = arith.constant 1 : i32
    %select_n3A = arith.select %eq3A_0, %jit3A_1, %jit3A : i32
    %rem3A = vector.broadcast %select_n3A : i32 to vector<128x1xi32>
    %rem3A_2 = arith.remsi %iota3A, %rem3A : vector<128x1xi32>
    %ne3A = arith.constant 0 : i32
    %ne3A_3 = vector.broadcast %ne3A : i32 to vector<128x1xi32>
    %ne3A_4 = arith.cmpi ne, %rem3A_2, %ne3A_3 : vector<128x1xi32>
    %lt3A = arith.constant 0 : i32
    %lt3A_5 = vector.broadcast %lt3A : i32 to vector<128x1xi32>
    %lt3A_6 = arith.cmpi slt, %rem3A_2, %lt3A_5 : vector<128x1xi32>
    %lt3A_7 = arith.constant 0 : i32
    %lt3A_8 = arith.cmpi slt, %select_n3A, %lt3A_7 : i32
    %ne3A_9 = vector.broadcast %lt3A_8 : i1 to vector<128x1xi1>
    %ne3A_10 = vector.broadcast %ne3A_9 : vector<128x1xi1> to vector<128x1xi1>
    %ne3A_11 = arith.xori %lt3A_6, %ne3A_10 : vector<128x1xi1>
    %and3A = arith.andi %ne3A_11, %ne3A_4 : vector<128x1xi1>
    %add3A = vector.broadcast %select_n3A : i32 to vector<128x1xi32>
    %add3A_12 = arith.addi %rem3A_2, %add3A : vector<128x1xi32>
    %select_n3A_13 = arith.select %and3A, %add3A_12, %rem3A_2 : vector<128x1xi1>, vector<128x1xi32>
    %mul3A = arith.constant 126 : i32
    %mul3A_14 = vector.broadcast %mul3A : i32 to vector<128x1xi32>
    %mul3A_15 = arith.muli %mul3A_14, %select_n3A_13 : vector<128x1xi32>
    %add3A_16 = arith.constant 63 : i32
    %add3A_17 = vector.broadcast %add3A_16 : i32 to vector<128x1xi32>
    %add3A_18 = arith.addi %mul3A_15, %add3A_17 : vector<128x1xi32>
    %jit3A_19 = arith.constant 64 : i32
    %div3A = vector.broadcast %jit3A_19 : i32 to vector<128x1xi32>
    %div3A_20 = arith.divsi %add3A_18, %div3A : vector<128x1xi32>
    %sign3A = arith.constant 0 : i32
    %sign3A_21 = vector.broadcast %sign3A : i32 to vector<128x1xi32>
    %sign3A_22 = arith.cmpi sgt, %add3A_18, %sign3A_21 : vector<128x1xi32>
    %sign3A_23 = arith.extui %sign3A_22 : vector<128x1xi1> to vector<128x1xi32>
    %sign3A_24 = arith.constant 0 : i32
    %sign3A_25 = vector.broadcast %sign3A_24 : i32 to vector<128x1xi32>
    %sign3A_26 = arith.cmpi slt, %add3A_18, %sign3A_25 : vector<128x1xi32>
    %sign3A_27 = arith.extui %sign3A_26 : vector<128x1xi1> to vector<128x1xi32>
    %sign3A_28 = arith.subi %sign3A_23, %sign3A_27 : vector<128x1xi32>
    %sign3A_29 = arith.constant 0 : i32
    %sign3A_30 = arith.cmpi sgt, %jit3A_19, %sign3A_29 : i32
    %sign3A_31 = arith.extui %sign3A_30 : i1 to i32
    %sign3A_32 = arith.constant 0 : i32
    %sign3A_33 = arith.cmpi slt, %jit3A_19, %sign3A_32 : i32
    %sign3A_34 = arith.extui %sign3A_33 : i1 to i32
    %sign3A_35 = arith.subi %sign3A_31, %sign3A_34 : i32
    %ne3A_36 = vector.broadcast %sign3A_35 : i32 to vector<128x1xi32>
    %ne3A_37 = arith.cmpi ne, %sign3A_28, %ne3A_36 : vector<128x1xi32>
    %rem3A_38 = vector.broadcast %jit3A_19 : i32 to vector<128x1xi32>
    %rem3A_39 = arith.remsi %add3A_18, %rem3A_38 : vector<128x1xi32>
    %ne3A_40 = arith.constant 0 : i32
    %ne3A_41 = vector.broadcast %ne3A_40 : i32 to vector<128x1xi32>
    %ne3A_42 = arith.cmpi ne, %rem3A_39, %ne3A_41 : vector<128x1xi32>
    %and3A_43 = arith.andi %ne3A_37, %ne3A_42 : vector<128x1xi1>
    %sub3A = arith.constant 1 : i32
    %sub3A_44 = vector.broadcast %sub3A : i32 to vector<128x1xi32>
    %sub3A_45 = arith.subi %div3A_20, %sub3A_44 : vector<128x1xi32>
    %select_n3A_46 = arith.select %and3A_43, %sub3A_45, %div3A_20 : vector<128x1xi1>, vector<128x1xi32>
    %iota3A_47 = tpu.iota {dimensions = array<i32: 1>} : vector<128x128xi32>
    %eq3A_48 = vector.broadcast %select_n3A_46 : vector<128x1xi32> to vector<128x128xi32>
    %eq3A_49 = arith.cmpi eq, %iota3A_47, %eq3A_48 : vector<128x128xi32>
    %convert_element_type3A = arith.extui %eq3A_49 : vector<128x128xi1> to vector<128x128xi32>
    %convert_element_type3A_50 = arith.sitofp %convert_element_type3A : vector<128x128xi32> to vector<128x128xf32>
    %get3A = arith.constant 0 : index
    %get3A_51 = arith.constant 0 : index
    %get3A_52 = vector.load %arg2[%get3A, %get3A_51] : memref<127x128xf32, #tpu.memory_space<vmem>>, vector<127x128xf32>
    %broadcast_in_dim3A = arith.constant 0.000000e+00 : f32
    %broadcast_in_dim3A_53 = vector.broadcast %broadcast_in_dim3A : f32 to vector<1x128xf32>
    %concatenate3A = tpu.concatenate %get3A_52, %broadcast_in_dim3A_53 in 0 : vector<127x128xf32>, vector<1x128xf32> -> vector<128x128xf32>
    %dot_general3A = arith.constant dense<0.000000e+00> : vector<128x128xf32>
    %dot_general3A_54 = tpu.matmul %convert_element_type3A_50, %concatenate3A, %dot_general3A {dimension_numbers = #tpu.dot_dimension_numbers<[1], [0], [0], [1], [0, 0, 1, 1], [], []>, transpose_lhs_hint = false} : vector<128x128xf32>, vector<128x128xf32>, vector<128x128xf32> -> vector<128x128xf32>
    %get3A_55 = arith.constant 0 : index
    %get3A_56 = arith.constant 0 : index
    %get3A_57 = vector.load %arg1[%get3A_55, %get3A_56] : memref<64x128xf32, #tpu.memory_space<vmem>>, vector<64x128xf32>
    %get3A_58 = arith.constant 0 : index
    %get3A_59 = arith.constant 0 : index
    %get3A_60 = vector.load %arg1[%get3A_58, %get3A_59] : memref<64x128xf32, #tpu.memory_space<vmem>>, vector<64x128xf32>
    %concatenate3A_61 = tpu.concatenate %get3A_57, %get3A_60 in 0 : vector<64x128xf32>, vector<64x128xf32> -> vector<128x128xf32>
    %concatenate3A_62 = tpu.concatenate %concatenate3A_61, %dot_general3A_54 in 1 : vector<128x128xf32>, vector<128x128xf32> -> vector<128x256xf32>
    %get3A_63 = arith.constant 0 : index
    %get3A_64 = arith.constant 0 : index
    %get3A_65 = vector.load %arg3[%get3A_63, %get3A_64] : memref<128x256xf32, #tpu.memory_space<vmem>>, vector<128x256xf32>
    %dot_general3A_66 = arith.constant dense<0.000000e+00> : vector<128x128xf32>
    %dot_general3A_67 = tpu.matmul %concatenate3A_62, %get3A_65, %dot_general3A_66 {dimension_numbers = #tpu.dot_dimension_numbers<[1], [1], [0], [0], [0, 0, 1, 0], [], []>, transpose_lhs_hint = false} : vector<128x256xf32>, vector<128x256xf32>, vector<128x128xf32> -> vector<128x128xf32>
    %get3A_68 = arith.constant 0 : index
    %get3A_69 = arith.constant 0 : index
    %get3A_70 = vector.load %arg4[%get3A_68, %get3A_69] : memref<1x128xf32, #tpu.memory_space<vmem>>, vector<1x128xf32>
    %add3A_71 = vector.broadcast %get3A_70 : vector<1x128xf32> to vector<128x128xf32>
    %add3A_72 = arith.addf %dot_general3A_67, %add3A_71 : vector<128x128xf32>
    %lt3A_73 = arith.constant 64 : i32
    %lt3A_74 = vector.broadcast %lt3A_73 : i32 to vector<128x1xi32>
    %lt3A_75 = arith.cmpi slt, %iota3A, %lt3A_74 : vector<128x1xi32>
    %convert_element_type3A_76 = arith.extui %lt3A_75 : vector<128x1xi1> to vector<128x1xi32>
    %convert_element_type3A_77 = arith.sitofp %convert_element_type3A_76 : vector<128x1xi32> to vector<128x1xf32>
    %get3A_78 = arith.constant 0 : index
    %get3A_79 = arith.constant 0 : index
    %get3A_80 = vector.load %arg0[%get3A_78, %get3A_79] : memref<2x128xf32, #tpu.memory_space<vmem>>, vector<1x128xf32>
    %mul3A_81 = vector.broadcast %convert_element_type3A_77 : vector<128x1xf32> to vector<128x128xf32>
    %mul3A_82 = vector.broadcast %get3A_80 : vector<1x128xf32> to vector<128x128xf32>
    %mul3A_83 = arith.mulf %mul3A_81, %mul3A_82 : vector<128x128xf32>
    %sub3A_84 = arith.constant 1.000000e+00 : f32
    %sub3A_85 = vector.broadcast %sub3A_84 : f32 to vector<128x1xf32>
    %sub3A_86 = arith.subf %sub3A_85, %convert_element_type3A_77 : vector<128x1xf32>
    %get3A_87 = arith.constant 1 : index
    %get3A_88 = arith.constant 0 : index
    %get3A_89 = vector.load %arg0[%get3A_87, %get3A_88] : memref<2x128xf32, #tpu.memory_space<vmem>>, vector<1x128xf32>
    %mul3A_90 = vector.broadcast %sub3A_86 : vector<128x1xf32> to vector<128x128xf32>
    %mul3A_91 = vector.broadcast %get3A_89 : vector<1x128xf32> to vector<128x128xf32>
    %mul3A_92 = arith.mulf %mul3A_90, %mul3A_91 : vector<128x128xf32>
    %add3A_93 = arith.addf %mul3A_83, %mul3A_92 : vector<128x128xf32>
    %concatenate3A_94 = tpu.concatenate %add3A_93, %add3A_72 in 1 : vector<128x128xf32>, vector<128x128xf32> -> vector<128x256xf32>
    %get3A_95 = arith.constant 0 : index
    %get3A_96 = arith.constant 0 : index
    %get3A_97 = vector.load %arg5[%get3A_95, %get3A_96] : memref<128x256xf32, #tpu.memory_space<vmem>>, vector<128x256xf32>
    %dot_general3A_98 = arith.constant dense<0.000000e+00> : vector<128x128xf32>
    %dot_general3A_99 = tpu.matmul %concatenate3A_94, %get3A_97, %dot_general3A_98 {dimension_numbers = #tpu.dot_dimension_numbers<[1], [1], [0], [0], [0, 0, 1, 0], [], []>, transpose_lhs_hint = false} : vector<128x256xf32>, vector<128x256xf32>, vector<128x128xf32> -> vector<128x128xf32>
    %get3A_100 = arith.constant 0 : index
    %get3A_101 = arith.constant 0 : index
    %get3A_102 = vector.load %arg6[%get3A_100, %get3A_101] : memref<1x128xf32, #tpu.memory_space<vmem>>, vector<1x128xf32>
    %add3A_103 = vector.broadcast %get3A_102 : vector<1x128xf32> to vector<128x128xf32>
    %add3A_104 = arith.addf %dot_general3A_99, %add3A_103 : vector<128x128xf32>
    %get3A_105 = arith.constant 0 : index
    %get3A_106 = arith.constant 0 : index
    %get3A_107 = vector.load %arg7[%get3A_105, %get3A_106] : memref<1x128xf32, #tpu.memory_space<vmem>>, vector<1x128xf32>
    %broadcast_in_dim3A_108 = vector.shape_cast %get3A_107 : vector<1x128xf32> to vector<1x128xf32>
    %broadcast_in_dim3A_109 = vector.broadcast %broadcast_in_dim3A_108 : vector<1x128xf32> to vector<8x128xf32>
    %swap3A = arith.constant 0 : index
    %swap3A_110 = arith.constant 0 : index
    %swap3A_111 = vector.load %arg8[%swap3A, %swap3A_110] : memref<4352x128xf32, #tpu.memory_space<vmem>>, vector<128x128xf32>
    tpu.vector_store %arg8[%swap3A, %swap3A_110], %add3A_104 {strides = array<i32>} : memref<4352x128xf32, #tpu.memory_space<vmem>>, vector<128x128xf32>,
    %swap3A_112 = arith.constant 128 : index
    %swap3A_113 = arith.constant 0 : index
    %swap3A_114 = vector.load %arg8[%swap3A_112, %swap3A_113] : memref<4352x128xf32, #tpu.memory_space<vmem>>, vector<8x128xf32>
    tpu.vector_store %arg8[%swap3A_112, %swap3A_113], %broadcast_in_dim3A_109 {strides = array<i32>} : memref<4352x128xf32, #tpu.memory_space<vmem>>, vector<8x128xf32>,
    %swap3A_115 = arith.constant 136 : index
    %swap3A_116 = arith.constant 0 : index
    %swap3A_117 = vector.load %arg8[%swap3A_115, %swap3A_116] : memref<4352x128xf32, #tpu.memory_space<vmem>>, vector<128x128xf32>
    tpu.vector_store %arg8[%swap3A_115, %swap3A_116], %add3A_104 {strides = array<i32>} : memref<4352x128xf32, #tpu.memory_space<vmem>>, vector<128x128xf32>,
    %swap3A_118 = arith.constant 264 : index
    %swap3A_119 = arith.constant 0 : index
    %swap3A_120 = vector.load %arg8[%swap3A_118, %swap3A_119] : memref<4352x128xf32, #tpu.memory_space<vmem>>, vector<8x128xf32>
    tpu.vector_store %arg8[%swap3A_118, %swap3A_119], %broadcast_in_dim3A_109 {strides = array<i32>} : memref<4352x128xf32, #tpu.memory_space<vmem>>, vector<8x128xf32>,
    %swap3A_121 = arith.constant 272 : index
    %swap3A_122 = arith.constant 0 : index
    %swap3A_123 = vector.load %arg8[%swap3A_121, %swap3A_122] : memref<4352x128xf32, #tpu.memory_space<vmem>>, vector<128x128xf32>
    tpu.vector_store %arg8[%swap3A_121, %swap3A_122], %add3A_104 {strides = array<i32>} : memref<4352x128xf32, #tpu.memory_space<vmem>>, vector<128x128xf32>,
    %swap3A_124 = arith.constant 400 : index
    %swap3A_125 = arith.constant 0 : index
    %swap3A_126 = vector.load %arg8[%swap3A_124, %swap3A_125] : memref<4352x128xf32, #tpu.memory_space<vmem>>, vector<8x128xf32>
    tpu.vector_store %arg8[%swap3A_124, %swap3A_125], %broadcast_in_dim3A_109 {strides = array<i32>} : memref<4352x128xf32, #tpu.memory_space<vmem>>, vector<8x128xf32>,
    %swap3A_127 = arith.constant 408 : index
    %swap3A_128 = arith.constant 0 : index
    %swap3A_129 = vector.load %arg8[%swap3A_127, %swap3A_128] : memref<4352x128xf32, #tpu.memory_space<vmem>>, vector<128x128xf32>
    tpu.vector_store %arg8[%swap3A_127, %swap3A_128], %add3A_104 {strides = array<i32>} : memref<4352x128xf32, #tpu.memory_space<vmem>>, vector<128x128xf32>,
    %swap3A_130 = arith.constant 536 : index
    %swap3A_131 = arith.constant 0 : index
    %swap3A_132 = vector.load %arg8[%swap3A_130, %swap3A_131] : memref<4352x128xf32, #tpu.memory_space<vmem>>, vector<8x128xf32>
    tpu.vector_store %arg8[%swap3A_130, %swap3A_131], %broadcast_in_dim3A_109 {strides = array<i32>} : memref<4352x128xf32, #tpu.memory_space<vmem>>, vector<8x128xf32>,
    %swap3A_133 = arith.constant 544 : index
    %swap3A_134 = arith.constant 0 : index
    %swap3A_135 = vector.load %arg8[%swap3A_133, %swap3A_134] : memref<4352x128xf32, #tpu.memory_space<vmem>>, vector<128x128xf32>
    tpu.vector_store %arg8[%swap3A_133, %swap3A_134], %add3A_104 {strides = array<i32>} : memref<4352x128xf32, #tpu.memory_space<vmem>>, vector<128x128xf32>,
    %swap3A_136 = arith.constant 672 : index
    %swap3A_137 = arith.constant 0 : index
    %swap3A_138 = vector.load %arg8[%swap3A_136, %swap3A_137] : memref<4352x128xf32, #tpu.memory_space<vmem>>, vector<8x128xf32>
    tpu.vector_store %arg8[%swap3A_136, %swap3A_137], %broadcast_in_dim3A_109 {strides = array<i32>} : memref<4352x128xf32, #tpu.memory_space<vmem>>, vector<8x128xf32>,
    %swap3A_139 = arith.constant 680 : index
    %swap3A_140 = arith.constant 0 : index
    %swap3A_141 = vector.load %arg8[%swap3A_139, %swap3A_140] : memref<4352x128xf32, #tpu.memory_space<vmem>>, vector<128x128xf32>
    tpu.vector_store %arg8[%swap3A_139, %swap3A_140], %add3A_104 {strides = array<i32>} : memref<4352x128xf32, #tpu.memory_space<vmem>>, vector<128x128xf32>,
    %swap3A_142 = arith.constant 808 : index
    %swap3A_143 = arith.constant 0 : index
    %swap3A_144 = vector.load %arg8[%swap3A_142, %swap3A_143] : memref<4352x128xf32, #tpu.memory_space<vmem>>, vector<8x128xf32>
    tpu.vector_store %arg8[%swap3A_142, %swap3A_143], %broadcast_in_dim3A_109 {strides = array<i32>} : memref<4352x128xf32, #tpu.memory_space<vmem>>, vector<8x128xf32>,
    %swap3A_145 = arith.constant 816 : index
    %swap3A_146 = arith.constant 0 : index
    %swap3A_147 = vector.load %arg8[%swap3A_145, %swap3A_146] : memref<4352x128xf32, #tpu.memory_space<vmem>>, vector<128x128xf32>
    tpu.vector_store %arg8[%swap3A_145, %swap3A_146], %add3A_104 {strides = array<i32>} : memref<4352x128xf32, #tpu.memory_space<vmem>>, vector<128x128xf32>,
    %swap3A_148 = arith.constant 944 : index
    %swap3A_149 = arith.constant 0 : index
    %swap3A_150 = vector.load %arg8[%swap3A_148, %swap3A_149] : memref<4352x128xf32, #tpu.memory_space<vmem>>, vector<8x128xf32>
    tpu.vector_store %arg8[%swap3A_148, %swap3A_149], %broadcast_in_dim3A_109 {strides = array<i32>} : memref<4352x128xf32, #tpu.memory_space<vmem>>, vector<8x128xf32>,
    %swap3A_151 = arith.constant 952 : index
    %swap3A_152 = arith.constant 0 : index
    %swap3A_153 = vector.load %arg8[%swap3A_151, %swap3A_152] : memref<4352x128xf32, #tpu.memory_space<vmem>>, vector<128x128xf32>
    tpu.vector_store %arg8[%swap3A_151, %swap3A_152], %add3A_104 {strides = array<i32>} : memref<4352x128xf32, #tpu.memory_space<vmem>>, vector<128x128xf32>,
    %swap3A_154 = arith.constant 1080 : index
    %swap3A_155 = arith.constant 0 : index
    %swap3A_156 = vector.load %arg8[%swap3A_154, %swap3A_155] : memref<4352x128xf32, #tpu.memory_space<vmem>>, vector<8x128xf32>
    tpu.vector_store %arg8[%swap3A_154, %swap3A_155], %broadcast_in_dim3A_109 {strides = array<i32>} : memref<4352x128xf32, #tpu.memory_space<vmem>>, vector<8x128xf32>,
    %swap3A_157 = arith.constant 1088 : index
    %swap3A_158 = arith.constant 0 : index
    %swap3A_159 = vector.load %arg8[%swap3A_157, %swap3A_158] : memref<4352x128xf32, #tpu.memory_space<vmem>>, vector<128x128xf32>
    tpu.vector_store %arg8[%swap3A_157, %swap3A_158], %add3A_104 {strides = array<i32>} : memref<4352x128xf32, #tpu.memory_space<vmem>>, vector<128x128xf32>,
    %swap3A_160 = arith.constant 1216 : index
    %swap3A_161 = arith.constant 0 : index
    %swap3A_162 = vector.load %arg8[%swap3A_160, %swap3A_161] : memref<4352x128xf32, #tpu.memory_space<vmem>>, vector<8x128xf32>
    tpu.vector_store %arg8[%swap3A_160, %swap3A_161], %broadcast_in_dim3A_109 {strides = array<i32>} : memref<4352x128xf32, #tpu.memory_space<vmem>>, vector<8x128xf32>,
    %swap3A_163 = arith.constant 1224 : index
    %swap3A_164 = arith.constant 0 : index
    %swap3A_165 = vector.load %arg8[%swap3A_163, %swap3A_164] : memref<4352x128xf32, #tpu.memory_space<vmem>>, vector<128x128xf32>
    tpu.vector_store %arg8[%swap3A_163, %swap3A_164], %add3A_104 {strides = array<i32>} : memref<4352x128xf32, #tpu.memory_space<vmem>>, vector<128x128xf32>,
    %swap3A_166 = arith.constant 1352 : index
    %swap3A_167 = arith.constant 0 : index
    %swap3A_168 = vector.load %arg8[%swap3A_166, %swap3A_167] : memref<4352x128xf32, #tpu.memory_space<vmem>>, vector<8x128xf32>
    tpu.vector_store %arg8[%swap3A_166, %swap3A_167], %broadcast_in_dim3A_109 {strides = array<i32>} : memref<4352x128xf32, #tpu.memory_space<vmem>>, vector<8x128xf32>,
    %swap3A_169 = arith.constant 1360 : index
    %swap3A_170 = arith.constant 0 : index
    %swap3A_171 = vector.load %arg8[%swap3A_169, %swap3A_170] : memref<4352x128xf32, #tpu.memory_space<vmem>>, vector<128x128xf32>
    tpu.vector_store %arg8[%swap3A_169, %swap3A_170], %add3A_104 {strides = array<i32>} : memref<4352x128xf32, #tpu.memory_space<vmem>>, vector<128x128xf32>,
    %swap3A_172 = arith.constant 1488 : index
    %swap3A_173 = arith.constant 0 : index
    %swap3A_174 = vector.load %arg8[%swap3A_172, %swap3A_173] : memref<4352x128xf32, #tpu.memory_space<vmem>>, vector<8x128xf32>
    tpu.vector_store %arg8[%swap3A_172, %swap3A_173], %broadcast_in_dim3A_109 {strides = array<i32>} : memref<4352x128xf32, #tpu.memory_space<vmem>>, vector<8x128xf32>,
    %swap3A_175 = arith.constant 1496 : index
    %swap3A_176 = arith.constant 0 : index
    %swap3A_177 = vector.load %arg8[%swap3A_175, %swap3A_176] : memref<4352x128xf32, #tpu.memory_space<vmem>>, vector<128x128xf32>
    tpu.vector_store %arg8[%swap3A_175, %swap3A_176], %add3A_104 {strides = array<i32>} : memref<4352x128xf32, #tpu.memory_space<vmem>>, vector<128x128xf32>,
    %swap3A_178 = arith.constant 1624 : index
    %swap3A_179 = arith.constant 0 : index
    %swap3A_180 = vector.load %arg8[%swap3A_178, %swap3A_179] : memref<4352x128xf32, #tpu.memory_space<vmem>>, vector<8x128xf32>
    tpu.vector_store %arg8[%swap3A_178, %swap3A_179], %broadcast_in_dim3A_109 {strides = array<i32>} : memref<4352x128xf32, #tpu.memory_space<vmem>>, vector<8x128xf32>,
    %swap3A_181 = arith.constant 1632 : index
    %swap3A_182 = arith.constant 0 : index
    %swap3A_183 = vector.load %arg8[%swap3A_181, %swap3A_182] : memref<4352x128xf32, #tpu.memory_space<vmem>>, vector<128x128xf32>
    tpu.vector_store %arg8[%swap3A_181, %swap3A_182], %add3A_104 {strides = array<i32>} : memref<4352x128xf32, #tpu.memory_space<vmem>>, vector<128x128xf32>,
    %swap3A_184 = arith.constant 1760 : index
    %swap3A_185 = arith.constant 0 : index
    %swap3A_186 = vector.load %arg8[%swap3A_184, %swap3A_185] : memref<4352x128xf32, #tpu.memory_space<vmem>>, vector<8x128xf32>
    tpu.vector_store %arg8[%swap3A_184, %swap3A_185], %broadcast_in_dim3A_109 {strides = array<i32>} : memref<4352x128xf32, #tpu.memory_space<vmem>>, vector<8x128xf32>,
    %swap3A_187 = arith.constant 1768 : index
    %swap3A_188 = arith.constant 0 : index
    %swap3A_189 = vector.load %arg8[%swap3A_187, %swap3A_188] : memref<4352x128xf32, #tpu.memory_space<vmem>>, vector<128x128xf32>
    tpu.vector_store %arg8[%swap3A_187, %swap3A_188], %add3A_104 {strides = array<i32>} : memref<4352x128xf32, #tpu.memory_space<vmem>>, vector<128x128xf32>,
    %swap3A_190 = arith.constant 1896 : index
    %swap3A_191 = arith.constant 0 : index
    %swap3A_192 = vector.load %arg8[%swap3A_190, %swap3A_191] : memref<4352x128xf32, #tpu.memory_space<vmem>>, vector<8x128xf32>
    tpu.vector_store %arg8[%swap3A_190, %swap3A_191], %broadcast_in_dim3A_109 {strides = array<i32>} : memref<4352x128xf32, #tpu.memory_space<vmem>>, vector<8x128xf32>,
    %swap3A_193 = arith.constant 1904 : index
    %swap3A_194 = arith.constant 0 : index
    %swap3A_195 = vector.load %arg8[%swap3A_193, %swap3A_194] : memref<4352x128xf32, #tpu.memory_space<vmem>>, vector<128x128xf32>
    tpu.vector_store %arg8[%swap3A_193, %swap3A_194], %add3A_104 {strides = array<i32>} : memref<4352x128xf32, #tpu.memory_space<vmem>>, vector<128x128xf32>,
    %swap3A_196 = arith.constant 2032 : index
    %swap3A_197 = arith.constant 0 : index
    %swap3A_198 = vector.load %arg8[%swap3A_196, %swap3A_197] : memref<4352x128xf32, #tpu.memory_space<vmem>>, vector<8x128xf32>
    tpu.vector_store %arg8[%swap3A_196, %swap3A_197], %broadcast_in_dim3A_109 {strides = array<i32>} : memref<4352x128xf32, #tpu.memory_space<vmem>>, vector<8x128xf32>,
    %swap3A_199 = arith.constant 2040 : index
    %swap3A_200 = arith.constant 0 : index
    %swap3A_201 = vector.load %arg8[%swap3A_199, %swap3A_200] : memref<4352x128xf32, #tpu.memory_space<vmem>>, vector<128x128xf32>
    tpu.vector_store %arg8[%swap3A_199, %swap3A_200], %add3A_104 {strides = array<i32>} : memref<4352x128xf32, #tpu.memory_space<vmem>>, vector<128x128xf32>,
    %swap3A_202 = arith.constant 2168 : index
    %swap3A_203 = arith.constant 0 : index
    %swap3A_204 = vector.load %arg8[%swap3A_202, %swap3A_203] : memref<4352x128xf32, #tpu.memory_space<vmem>>, vector<8x128xf32>
    tpu.vector_store %arg8[%swap3A_202, %swap3A_203], %broadcast_in_dim3A_109 {strides = array<i32>} : memref<4352x128xf32, #tpu.memory_space<vmem>>, vector<8x128xf32>,
    %swap3A_205 = arith.constant 2176 : index
    %swap3A_206 = arith.constant 0 : index
    %swap3A_207 = vector.load %arg8[%swap3A_205, %swap3A_206] : memref<4352x128xf32, #tpu.memory_space<vmem>>, vector<128x128xf32>
    tpu.vector_store %arg8[%swap3A_205, %swap3A_206], %add3A_104 {strides = array<i32>} : memref<4352x128xf32, #tpu.memory_space<vmem>>, vector<128x128xf32>,
    %swap3A_208 = arith.constant 2304 : index
    %swap3A_209 = arith.constant 0 : index
    %swap3A_210 = vector.load %arg8[%swap3A_208, %swap3A_209] : memref<4352x128xf32, #tpu.memory_space<vmem>>, vector<8x128xf32>
    tpu.vector_store %arg8[%swap3A_208, %swap3A_209], %broadcast_in_dim3A_109 {strides = array<i32>} : memref<4352x128xf32, #tpu.memory_space<vmem>>, vector<8x128xf32>,
    %swap3A_211 = arith.constant 2312 : index
    %swap3A_212 = arith.constant 0 : index
    %swap3A_213 = vector.load %arg8[%swap3A_211, %swap3A_212] : memref<4352x128xf32, #tpu.memory_space<vmem>>, vector<128x128xf32>
    tpu.vector_store %arg8[%swap3A_211, %swap3A_212], %add3A_104 {strides = array<i32>} : memref<4352x128xf32, #tpu.memory_space<vmem>>, vector<128x128xf32>,
    %swap3A_214 = arith.constant 2440 : index
    %swap3A_215 = arith.constant 0 : index
    %swap3A_216 = vector.load %arg8[%swap3A_214, %swap3A_215] : memref<4352x128xf32, #tpu.memory_space<vmem>>, vector<8x128xf32>
    tpu.vector_store %arg8[%swap3A_214, %swap3A_215], %broadcast_in_dim3A_109 {strides = array<i32>} : memref<4352x128xf32, #tpu.memory_space<vmem>>, vector<8x128xf32>,
    %swap3A_217 = arith.constant 2448 : index
    %swap3A_218 = arith.constant 0 : index
    %swap3A_219 = vector.load %arg8[%swap3A_217, %swap3A_218] : memref<4352x128xf32, #tpu.memory_space<vmem>>, vector<128x128xf32>
    tpu.vector_store %arg8[%swap3A_217, %swap3A_218], %add3A_104 {strides = array<i32>} : memref<4352x128xf32, #tpu.memory_space<vmem>>, vector<128x128xf32>,
    %swap3A_220 = arith.constant 2576 : index
    %swap3A_221 = arith.constant 0 : index
    %swap3A_222 = vector.load %arg8[%swap3A_220, %swap3A_221] : memref<4352x128xf32, #tpu.memory_space<vmem>>, vector<8x128xf32>
    tpu.vector_store %arg8[%swap3A_220, %swap3A_221], %broadcast_in_dim3A_109 {strides = array<i32>} : memref<4352x128xf32, #tpu.memory_space<vmem>>, vector<8x128xf32>,
    %swap3A_223 = arith.constant 2584 : index
    %swap3A_224 = arith.constant 0 : index
    %swap3A_225 = vector.load %arg8[%swap3A_223, %swap3A_224] : memref<4352x128xf32, #tpu.memory_space<vmem>>, vector<128x128xf32>
    tpu.vector_store %arg8[%swap3A_223, %swap3A_224], %add3A_104 {strides = array<i32>} : memref<4352x128xf32, #tpu.memory_space<vmem>>, vector<128x128xf32>,
    %swap3A_226 = arith.constant 2712 : index
    %swap3A_227 = arith.constant 0 : index
    %swap3A_228 = vector.load %arg8[%swap3A_226, %swap3A_227] : memref<4352x128xf32, #tpu.memory_space<vmem>>, vector<8x128xf32>
    tpu.vector_store %arg8[%swap3A_226, %swap3A_227], %broadcast_in_dim3A_109 {strides = array<i32>} : memref<4352x128xf32, #tpu.memory_space<vmem>>, vector<8x128xf32>,
    %swap3A_229 = arith.constant 2720 : index
    %swap3A_230 = arith.constant 0 : index
    %swap3A_231 = vector.load %arg8[%swap3A_229, %swap3A_230] : memref<4352x128xf32, #tpu.memory_space<vmem>>, vector<128x128xf32>
    tpu.vector_store %arg8[%swap3A_229, %swap3A_230], %add3A_104 {strides = array<i32>} : memref<4352x128xf32, #tpu.memory_space<vmem>>, vector<128x128xf32>,
    %swap3A_232 = arith.constant 2848 : index
    %swap3A_233 = arith.constant 0 : index
    %swap3A_234 = vector.load %arg8[%swap3A_232, %swap3A_233] : memref<4352x128xf32, #tpu.memory_space<vmem>>, vector<8x128xf32>
    tpu.vector_store %arg8[%swap3A_232, %swap3A_233], %broadcast_in_dim3A_109 {strides = array<i32>} : memref<4352x128xf32, #tpu.memory_space<vmem>>, vector<8x128xf32>,
    %swap3A_235 = arith.constant 2856 : index
    %swap3A_236 = arith.constant 0 : index
    %swap3A_237 = vector.load %arg8[%swap3A_235, %swap3A_236] : memref<4352x128xf32, #tpu.memory_space<vmem>>, vector<128x128xf32>
    tpu.vector_store %arg8[%swap3A_235, %swap3A_236], %add3A_104 {strides = array<i32>} : memref<4352x128xf32, #tpu.memory_space<vmem>>, vector<128x128xf32>,
    %swap3A_238 = arith.constant 2984 : index
    %swap3A_239 = arith.constant 0 : index
    %swap3A_240 = vector.load %arg8[%swap3A_238, %swap3A_239] : memref<4352x128xf32, #tpu.memory_space<vmem>>, vector<8x128xf32>
    tpu.vector_store %arg8[%swap3A_238, %swap3A_239], %broadcast_in_dim3A_109 {strides = array<i32>} : memref<4352x128xf32, #tpu.memory_space<vmem>>, vector<8x128xf32>,
    %swap3A_241 = arith.constant 2992 : index
    %swap3A_242 = arith.constant 0 : index
    %swap3A_243 = vector.load %arg8[%swap3A_241, %swap3A_242] : memref<4352x128xf32, #tpu.memory_space<vmem>>, vector<128x128xf32>
    tpu.vector_store %arg8[%swap3A_241, %swap3A_242], %add3A_104 {strides = array<i32>} : memref<4352x128xf32, #tpu.memory_space<vmem>>, vector<128x128xf32>,
    %swap3A_244 = arith.constant 3120 : index
    %swap3A_245 = arith.constant 0 : index
    %swap3A_246 = vector.load %arg8[%swap3A_244, %swap3A_245] : memref<4352x128xf32, #tpu.memory_space<vmem>>, vector<8x128xf32>
    tpu.vector_store %arg8[%swap3A_244, %swap3A_245], %broadcast_in_dim3A_109 {strides = array<i32>} : memref<4352x128xf32, #tpu.memory_space<vmem>>, vector<8x128xf32>,
    %swap3A_247 = arith.constant 3128 : index
    %swap3A_248 = arith.constant 0 : index
    %swap3A_249 = vector.load %arg8[%swap3A_247, %swap3A_248] : memref<4352x128xf32, #tpu.memory_space<vmem>>, vector<128x128xf32>
    tpu.vector_store %arg8[%swap3A_247, %swap3A_248], %add3A_104 {strides = array<i32>} : memref<4352x128xf32, #tpu.memory_space<vmem>>, vector<128x128xf32>,
    %swap3A_250 = arith.constant 3256 : index
    %swap3A_251 = arith.constant 0 : index
    %swap3A_252 = vector.load %arg8[%swap3A_250, %swap3A_251] : memref<4352x128xf32, #tpu.memory_space<vmem>>, vector<8x128xf32>
    tpu.vector_store %arg8[%swap3A_250, %swap3A_251], %broadcast_in_dim3A_109 {strides = array<i32>} : memref<4352x128xf32, #tpu.memory_space<vmem>>, vector<8x128xf32>,
    %swap3A_253 = arith.constant 3264 : index
    %swap3A_254 = arith.constant 0 : index
    %swap3A_255 = vector.load %arg8[%swap3A_253, %swap3A_254] : memref<4352x128xf32, #tpu.memory_space<vmem>>, vector<128x128xf32>
    tpu.vector_store %arg8[%swap3A_253, %swap3A_254], %add3A_104 {strides = array<i32>} : memref<4352x128xf32, #tpu.memory_space<vmem>>, vector<128x128xf32>,
    %swap3A_256 = arith.constant 3392 : index
    %swap3A_257 = arith.constant 0 : index
    %swap3A_258 = vector.load %arg8[%swap3A_256, %swap3A_257] : memref<4352x128xf32, #tpu.memory_space<vmem>>, vector<8x128xf32>
    tpu.vector_store %arg8[%swap3A_256, %swap3A_257], %broadcast_in_dim3A_109 {strides = array<i32>} : memref<4352x128xf32, #tpu.memory_space<vmem>>, vector<8x128xf32>,
    %swap3A_259 = arith.constant 3400 : index
    %swap3A_260 = arith.constant 0 : index
    %swap3A_261 = vector.load %arg8[%swap3A_259, %swap3A_260] : memref<4352x128xf32, #tpu.memory_space<vmem>>, vector<128x128xf32>
    tpu.vector_store %arg8[%swap3A_259, %swap3A_260], %add3A_104 {strides = array<i32>} : memref<4352x128xf32, #tpu.memory_space<vmem>>, vector<128x128xf32>,
    %swap3A_262 = arith.constant 3528 : index
    %swap3A_263 = arith.constant 0 : index
    %swap3A_264 = vector.load %arg8[%swap3A_262, %swap3A_263] : memref<4352x128xf32, #tpu.memory_space<vmem>>, vector<8x128xf32>
    tpu.vector_store %arg8[%swap3A_262, %swap3A_263], %broadcast_in_dim3A_109 {strides = array<i32>} : memref<4352x128xf32, #tpu.memory_space<vmem>>, vector<8x128xf32>,
    %swap3A_265 = arith.constant 3536 : index
    %swap3A_266 = arith.constant 0 : index
    %swap3A_267 = vector.load %arg8[%swap3A_265, %swap3A_266] : memref<4352x128xf32, #tpu.memory_space<vmem>>, vector<128x128xf32>
    tpu.vector_store %arg8[%swap3A_265, %swap3A_266], %add3A_104 {strides = array<i32>} : memref<4352x128xf32, #tpu.memory_space<vmem>>, vector<128x128xf32>,
    %swap3A_268 = arith.constant 3664 : index
    %swap3A_269 = arith.constant 0 : index
    %swap3A_270 = vector.load %arg8[%swap3A_268, %swap3A_269] : memref<4352x128xf32, #tpu.memory_space<vmem>>, vector<8x128xf32>
    tpu.vector_store %arg8[%swap3A_268, %swap3A_269], %broadcast_in_dim3A_109 {strides = array<i32>} : memref<4352x128xf32, #tpu.memory_space<vmem>>, vector<8x128xf32>,
    %swap3A_271 = arith.constant 3672 : index
    %swap3A_272 = arith.constant 0 : index
    %swap3A_273 = vector.load %arg8[%swap3A_271, %swap3A_272] : memref<4352x128xf32, #tpu.memory_space<vmem>>, vector<128x128xf32>
    tpu.vector_store %arg8[%swap3A_271, %swap3A_272], %add3A_104 {strides = array<i32>} : memref<4352x128xf32, #tpu.memory_space<vmem>>, vector<128x128xf32>,
    %swap3A_274 = arith.constant 3800 : index
    %swap3A_275 = arith.constant 0 : index
    %swap3A_276 = vector.load %arg8[%swap3A_274, %swap3A_275] : memref<4352x128xf32, #tpu.memory_space<vmem>>, vector<8x128xf32>
    tpu.vector_store %arg8[%swap3A_274, %swap3A_275], %broadcast_in_dim3A_109 {strides = array<i32>} : memref<4352x128xf32, #tpu.memory_space<vmem>>, vector<8x128xf32>,
    %swap3A_277 = arith.constant 3808 : index
    %swap3A_278 = arith.constant 0 : index
    %swap3A_279 = vector.load %arg8[%swap3A_277, %swap3A_278] : memref<4352x128xf32, #tpu.memory_space<vmem>>, vector<128x128xf32>
    tpu.vector_store %arg8[%swap3A_277, %swap3A_278], %add3A_104 {strides = array<i32>} : memref<4352x128xf32, #tpu.memory_space<vmem>>, vector<128x128xf32>,
    %swap3A_280 = arith.constant 3936 : index
    %swap3A_281 = arith.constant 0 : index
    %swap3A_282 = vector.load %arg8[%swap3A_280, %swap3A_281] : memref<4352x128xf32, #tpu.memory_space<vmem>>, vector<8x128xf32>
    tpu.vector_store %arg8[%swap3A_280, %swap3A_281], %broadcast_in_dim3A_109 {strides = array<i32>} : memref<4352x128xf32, #tpu.memory_space<vmem>>, vector<8x128xf32>,
    %swap3A_283 = arith.constant 3944 : index
    %swap3A_284 = arith.constant 0 : index
    %swap3A_285 = vector.load %arg8[%swap3A_283, %swap3A_284] : memref<4352x128xf32, #tpu.memory_space<vmem>>, vector<128x128xf32>
    tpu.vector_store %arg8[%swap3A_283, %swap3A_284], %add3A_104 {strides = array<i32>} : memref<4352x128xf32, #tpu.memory_space<vmem>>, vector<128x128xf32>,
    %swap3A_286 = arith.constant 4072 : index
    %swap3A_287 = arith.constant 0 : index
    %swap3A_288 = vector.load %arg8[%swap3A_286, %swap3A_287] : memref<4352x128xf32, #tpu.memory_space<vmem>>, vector<8x128xf32>
    tpu.vector_store %arg8[%swap3A_286, %swap3A_287], %broadcast_in_dim3A_109 {strides = array<i32>} : memref<4352x128xf32, #tpu.memory_space<vmem>>, vector<8x128xf32>,
    %swap3A_289 = arith.constant 4080 : index
    %swap3A_290 = arith.constant 0 : index
    %swap3A_291 = vector.load %arg8[%swap3A_289, %swap3A_290] : memref<4352x128xf32, #tpu.memory_space<vmem>>, vector<128x128xf32>
    tpu.vector_store %arg8[%swap3A_289, %swap3A_290], %add3A_104 {strides = array<i32>} : memref<4352x128xf32, #tpu.memory_space<vmem>>, vector<128x128xf32>,
    %swap3A_292 = arith.constant 4208 : index
    %swap3A_293 = arith.constant 0 : index
    %swap3A_294 = vector.load %arg8[%swap3A_292, %swap3A_293] : memref<4352x128xf32, #tpu.memory_space<vmem>>, vector<8x128xf32>
    tpu.vector_store %arg8[%swap3A_292, %swap3A_293], %broadcast_in_dim3A_109 {strides = array<i32>} : memref<4352x128xf32, #tpu.memory_space<vmem>>, vector<8x128xf32>,
    %swap3A_295 = arith.constant 4216 : index
    %swap3A_296 = arith.constant 0 : index
    %swap3A_297 = vector.load %arg8[%swap3A_295, %swap3A_296] : memref<4352x128xf32, #tpu.memory_space<vmem>>, vector<128x128xf32>
    tpu.vector_store %arg8[%swap3A_295, %swap3A_296], %add3A_104 {strides = array<i32>} : memref<4352x128xf32, #tpu.memory_space<vmem>>, vector<128x128xf32>,
    %swap3A_298 = arith.constant 4344 : index
    %swap3A_299 = arith.constant 0 : index
    %swap3A_300 = vector.load %arg8[%swap3A_298, %swap3A_299] : memref<4352x128xf32, #tpu.memory_space<vmem>>, vector<8x128xf32>
    tpu.vector_store %arg8[%swap3A_298, %swap3A_299], %broadcast_in_dim3A_109 {strides = array<i32>} : memref<4352x128xf32, #tpu.memory_space<vmem>>, vector<8x128xf32>,
    return
  }
}

</mosaic_0001>

<sc_bundles>
// kernel: kernel.4.cloned.1.call-start
scs
__scs_entry_jumppad:
0x0: {  	(pc) =	sbr.rel $0x88, $3  }
0x1: {  	(tag) =	ssettag $0x0;
	lr =	simm.s32 $0x1  }
0x2: {  	[smem:$0x3F98] =	sst lr;
	_ =	strace $0xD0000000  }
0x3: {  	_ = 	snop  }
0x4: {  	_ = 	snop  }
0x5: {  	_ = 	snop  }
0x6: {  	_ = 	snop  }
0x7: {  	_ = 	snop  }
__scs_overlays_trampoline_lowered:
0x8: {  	[smem:$0x3FA7] =	sst s0  }
0x9: {  	[smem:$0x3FA8] =	sst s1  }
0xa: {  	[smem:$0x3FA9] =	sst s2  }
0xb: {  	[smem:$0x3FAA] =	sst s3  }
0xc: {  	[smem:$0x3FAB] =	sst s4  }
0xd: {  	[smem:$0x3FAC] =	sst s5  }
0xe: {  	[smem:$0x3FAD] =	sst s6  }
0xf: {  	[smem:$0x3FAE] =	sst s7  }
0x10: {  	[smem:$0x3FAF] =	sst s8  }
0x11: {  	[smem:$0x3FB0] =	sst s9;
	s0 =	simm.s32 @!p0 $0x0  }
0x12: {  	s1 =	sld [smem:$0x3F96];
	s0 =	simm.s32 @p0 $0x1  }
0x13: {  	[smem:$0x3FB1] =	sst s0;
	s0 =	simm.s32 @!p1 $0x0  }
0x14: {  	s2 =	sld [smem:$0x3F95];
	s0 =	simm.s32 @p1 $0x1  }
0x15: {  	[smem:$0x3FB2] =	sst s0;
	s0 =	simm.s32 @!p2 $0x0  }
0x16: {  	s3 =	sld [smem:$0x3FDB];
	s0 =	simm.s32 @p2 $0x1  }
0x17: {  	s4 =	simm.s32 $0x1BF5;
	[smem:$0x3FB4] =	sst s0  }
0x18: {  	s0 =	sld [smem:$0x3F97];
	_ =	swait.ge [sflag:s4], $0x0  }
0x19: {  	s7 =	sld [smem:$0x3F98]  }
0x1a: {  	s8 =	sadd.s32 $0xFFFFE003, lr  }
0x1b: {  	s9 =	sadd.s32 $0xFFFFFEF7, lr;
	s5 =	simm.s32 $0xFFFFFFFF;
	p2 =	slt.u32 s8, $0xFFFFF086  }
0x1c: {  	p1 =	slt.u32 s9, $0xF7A;
	s5 =	simm.s32 @!p2 $0x0  }
0x1d: {  	s5 =	simm.s32 @p1 $0x1;
	p0 =	seq.s32 s7, s2  }
0x1e: {  	s7 =	smul.u32 @!p0 $0xF7A, s2;
	p2 =	seq.s32 @!p0 s5, $0x0  }
0x1f: {  	s9 =	smul.u32 $0xF7A, s1;
	s8 =	simm.s32 @!p0 $0x1BF5;
	p2 =	por !p2, p0  }
0x20: {  	[sflag:s8] =	ssyncset.s32 @!p0 $0xFFFFF086;
	s6 =	sadd.s32 @!p0 s3, s7;
	s7 =	simm.s32 @!p0 $0x108  }
0x21: {  	s3 =	sadd.s32 s3, s9;
	s6 =	sadd.s32 @!p0 $0x88, s6;
	s7 =	simm.s32 @p2 $0x1082  }
0x22: {  	[simem:s7], [sflag:s8] =	dma.local @!p0 [hbm:s6], $0xF7A  }
0x23: {  	s9 =	sor.u32 $0xD0000000, s2;
	s6 =	simm.s32 $0x108;
	_ =	swait.ge @!p0 [sflag:s8], $0x0  }
0x24: {  	s3 =	sadd.s32 $0x88, s3;
	s6 =	simm.s32 @!p1 $0x1082;
	[sflag:s4] =	ssyncset.s32 $0xFFFFF086  }
0x25: {  	[simem:s6], [sflag:s4] =	dma.local [hbm:s3], $0xF7A  }
0x26: {  	[smem:$0x3F98] =	sst s1;
	(tag) =	ssettag s2;
	_ =	strace s9  }
0x27: {  	s1 =	sld [smem:$0x3FA8]  }
0x28: {  	s2 =	sld [smem:$0x3FA9]  }
0x29: {  	s4 =	sld [smem:$0x3FAB]  }
0x2a: {  	p0 =	seq.s32 s5, $0x0;
	s5 =	sld [smem:$0x3FAC]  }
0x2b: {  	s6 =	sld [smem:$0x3FAD]  }
0x2c: {  	s7 =	sld [smem:$0x3FAE]  }
0x2d: {  	s3 =	simm.s32 $0x108;
	s8 =	sld [smem:$0x3FAF]  }
0x2e: {  	s3 =	simm.s32 @!p0 $0x1082;
	s9 =	sld [smem:$0x3FB0]  }
0x2f: {  	lr =	sadd.s32 s0, s3;
	s0 =	sld [smem:$0x3FA7]  }
0x30: {  	s3 =	sld [smem:$0x3FAA]  }
0x31: {  	[smem:$0x3FB3] =	sst s10  }
0x32: {  	s10 =	sld [smem:$0x3FB1];
	_ =	sdelay $0x3  }
0x33: {  	p0 =	seq.s32 s10, $0x1;
	s10 =	sld [smem:$0x3FB3];
	_ =	sdelay $0x3  }
0x34: {  	[smem:$0x3FB3] =	sst s10  }
0x35: {  	s10 =	sld [smem:$0x3FB2];
	_ =	sdelay $0x3  }
0x36: {  	p1 =	seq.s32 s10, $0x1;
	s10 =	sld [smem:$0x3FB3];
	_ =	sdelay $0x3  }
0x37: {  	[smem:$0x3FB3] =	sst s10  }
0x38: {  	s10 =	sld [smem:$0x3FB4]  }
0x39: {  	_ = 	snop;
	(pc) =	sbr.ind lr, $3  }
0x3a: {  	_ = 	snop  }
0x3b: {  	_ = 	snop  }
0x3c: {  	p2 =	seq.s32 s10, $0x1;
	s10 =	sld [smem:$0x3FB3]  }
0x3d: {  	_ =	shalt  }
0x3e: {  	_ =	shalt  }
0x3f: {  	_ =	shalt  }
0x40: {  	_ =	shalt  }
0x41: {  	_ =	shalt  }
0x42: {  	_ =	shalt  }
0x43: {  	_ =	shalt  }
0x44: {  	_ =	shalt  }
0x45: {  	_ =	shalt  }
0x46: {  	_ =	shalt  }
0x47: {  	_ =	shalt  }
0x48: {  	_ =	shalt  }
0x49: {  	_ =	shalt  }
0x4a: {  	_ =	shalt  }
0x4b: {  	_ =	shalt  }
0x4c: {  	_ =	shalt  }
0x4d: {  	_ =	shalt  }
0x4e: {  	_ =	shalt  }
0x4f: {  	_ =	shalt  }
0x50: {  	_ =	shalt  }
0x51: {  	_ =	shalt  }
0x52: {  	_ =	shalt  }
0x53: {  	_ =	shalt  }
0x54: {  	_ =	shalt  }
0x55: {  	_ =	shalt  }
0x56: {  	_ =	shalt  }
0x57: {  	_ =	shalt  }
0x58: {  	_ =	shalt  }
0x59: {  	_ =	shalt  }
0x5a: {  	_ =	shalt  }
0x5b: {  	_ =	shalt  }
0x5c: {  	_ =	shalt  }
0x5d: {  	_ =	shalt  }
0x5e: {  	_ =	shalt  }
0x5f: {  	_ =	shalt  }
0x60: {  	_ =	shalt  }
0x61: {  	_ =	shalt  }
0x62: {  	_ =	shalt  }
0x63: {  	_ =	shalt  }
0x64: {  	_ =	shalt  }
0x65: {  	_ =	shalt  }
0x66: {  	_ =	shalt  }
0x67: {  	_ =	shalt  }
0x68: {  	_ =	shalt  }
0x69: {  	_ =	shalt  }
0x6a: {  	_ =	shalt  }
0x6b: {  	_ =	shalt  }
0x6c: {  	_ =	shalt  }
0x6d: {  	_ =	shalt  }
0x6e: {  	_ =	shalt  }
0x6f: {  	_ =	shalt  }
0x70: {  	_ =	shalt  }
0x71: {  	_ =	shalt  }
0x72: {  	_ =	shalt  }
0x73: {  	_ =	shalt  }
0x74: {  	_ =	shalt  }
0x75: {  	_ =	shalt  }
0x76: {  	_ =	shalt  }
0x77: {  	_ =	shalt  }
0x78: {  	_ =	shalt  }
0x79: {  	_ =	shalt  }
0x7a: {  	_ =	shalt  }
0x7b: {  	_ =	shalt  }
0x7c: {  	_ =	shalt  }
0x7d: {  	_ =	shalt  }
0x7e: {  	_ =	shalt  }
0x7f: {  	_ =	shalt  }
0x80: {  	_ =	shalt  }
0x81: {  	_ =	shalt  }
0x82: {  	_ =	shalt  }
0x83: {  	_ =	shalt  }
0x84: {  	_ =	shalt  }
0x85: {  	_ =	shalt  }
0x86: {  	_ =	shalt  }
0x87: {  	_ =	shalt  }
.Lfunc_end0:
.L_simem_size_0:
called_computation_lowered:
.L_overlay_start_0:
0x88: {  	s2 =	sld [smem:$0x3FD9]  }
0x89: {  	s3 =	sld [smem:$0x3FFE];
	_ =	sdelay $0x1  }
0x8a: {  	s1 =	srdreg.scid  }
0x8b: {  	s0 =	sand.u32 $0x1, s1  }
0x8c: {  	s17 =	sshll.u32 s0, $0xA;
	s2 =	sadd.s32 s3, s2  }
0x8d: {  	s2 =	sadd.s32 s2, s17  }
0x8e: {  	[smem:$0x3FBF] =	sst s2  }
0x8f: {  	_ = 	snop  }
0x90: {  	s2 =	sld [smem:$0x3FC9]  }
0x91: {  	s18 =	sld [smem:$0x3FD0];
	(tm) =	ssettm $0x1  }
0x92: {  	s4 =	sld [smem:$0x3FFB];
	_ =	sdelay $0x3  }
0x93: {  	_ =	strace s4  }
0x94: {  	s4 =	sld [smem:$0x3FFC];
	_ =	sdelay $0x3  }
0x95: {  	_ =	strace s4  }
0x96: {  	s4 =	sld [smem:$0x3FFD];
	_ =	sdelay $0x3  }
0x97: {  	_ =	strace s4  }
0x98: {  	_ =	strace $0x8FFFFFFF  }
0x99: {  	s19 =	sld [smem:$0x3FDB];
	_ =	sdelay $0x1  }
0x9a: {  	s5 =	simm.s32 $_scs_section_size  }
0x9b: {  	s6 =	simm.s32 $_size__tile_overlayer_lowered;
	s7 =	simm.s32 $_tile_overlayer_lowered  }
0x9c: {  	s22 =	simm.s32 $0x1BFF;
	s21 =	sshll.u32 s7, $0x1;
	s4 =	sadd.s32 s5, s19  }
0x9d: {  	s8 =	simm.s32 $0x0;
	s20 =	sshll.u32 s6, $0x1;
	s6 =	sadd.s32 s21, s4  }
0x9e: {  	[timem:s8], [sflag:s22] =	dma.local [hbm:s6], s20  }
0x9f: {  	_ =	swait.ge [sflag:s22], s20  }
0xa0: {  	s5 =	ssub.s32 $0x0, s20;
	[sflag:s22] =	ssyncset.done $0x0  }
0xa1: {  	[sflag:s22] =	ssyncadd.s32 s5;
	_ =	sdelay $0x1  }
0xa2: {  	s23 =	simm.s32 $0x1B8B  }
0xa3: {  	_ =	swait.ge [sflag:s23], $0x1  }
0xa4: {  	[sflag:s23] =	ssyncset.done $0x0  }
0xa5: {  	s25 =	simm.s32 $0x1B8E;
	s24 =	sld [smem:$0x3FFE];
	[sflag:s23] =	ssyncadd.s32 $0xFFFFFFFF  }
0xa6: {  	s26 =	simm.s32 $execute0_lowered;
	[smem:$0x3FD2] =	sst s25  }
0xa7: {  	s6 =	sshll.u32 s26, $0x1;
	_ =	strace $0x80000046;
	[dreg:$0x1] =	wrdreg $0xFFFFFFFF  }
0xa8: {  	s28 =	simm.s32 $_size_execute0_lowered;
	s4 =	sadd.s32 s4, s6;
	[dreg:$0x0] =	wrdreg $0x0  }
0xa9: {  	s6 =	sshll.u32 s28, $0x1;
	[dreg:$0x2] =	wrdreg s4  }
0xaa: {  	[dreg:$0x3] =	wrdreg s6  }
0xab: {  	[dreg:$0x4] =	wrdreg $0xC0  }
0xac: {  	_ =	task [dreg:s8], $0x5FFFF  }
0xad: {  	[dreg:$0x1] =	wrdreg $0xFFFFFFFF  }
0xae: {  	[dreg:$0x0] =	wrdreg $0x60  }
0xaf: {  	[dreg:$0x2] =	wrdreg s24  }
0xb0: {  	[dreg:$0x3] =	wrdreg s2  }
0xb1: {  	[dreg:$0x4] =	wrdreg s18  }
0xb2: {  	[dreg:$0x5] =	wrdreg $0x9  }
0xb3: {  	_ =	task.clear_ibuf [dreg:s8], $0x6FFFF;
	_ =	strace $0x90000046  }
0xb4: {  	s29 =	simm.s32 $0x9;
	_ =	strace $0x80000048  }
0xb5: {  	_ =	swait.ge [sflag:s29], $0x1  }
0xb6: {  	[sflag:s29] =	ssyncadd.s32 $0xFFFFFFFF  }
0xb7: {  	_ =	strace $0x90000048  }
0xb8: {  	_ =	sfence  }
0xb9: {  	s30 =	sld [smem:$0x0];
	_ =	sdelay $0x2  }
0xba: {  	s31 =	sshll.u32 s1, $0xD;
	s1 =	sshrl.u32 s1, $0x2  }
0xbb: {  	s3 =	sand.u32 $0x4000, s31;
	s1 =	sadd.s32 s1, s30  }
0xbc: {  	s0 =	sor.u32 s3, s0;
	s1 =	sshll.u32 s1, $0x11  }
0xbd: {  	s0 =	sor.u32 s1, s0  }
0xbe: {  	s0 =	sadd.s32 $0x8F2B, s0  }
0xbf: {  	[sflag:s0] =	ssyncadd.remote.s32 $0x1  }
0xc0: {  	_ =	sfence.sel $0xFFFF  }
0xc1: {  	[dreg:$0x0] =	wrdreg $0xFFFFFFFF;
	(pc) =	sbr.abs _section_cstart, $3  }
0xc2: {  	[dreg:$0x1] =	wrdreg $0xFFFFFFFF  }
0xc3: {  	_ =	task.clear_ibuf [dreg:s8], $0x2FFFF;
	_ =	strace $0x9FFFFFFF  }
0xc4: {  	(tm) =	ssettm $0x7FFFFFFF  }
0xc5: {  	_ =	shalt  }
tec
execute0_lowered:
.L_overlay_start_1:
0x0: {  	(tag) =	ssettag $0x1  }
0x1: {  	s5 =	rddreg [dreg:$0x0]  }
0x2: {  	s3 =	rddreg [dreg:$0x1]  }
0x3: {  	s1 =	srdreg.scid;
	s0 =	stileid.u32  }
0x4: {  	s6 =	rddreg [dreg:$0x2];
	s7 =	sand.u32 $0x1, s1;
	s4 =	sshll.u32 s0, $0x1  }
0x5: {  	s2 =	simm.s32 $0x0;
	s1 =	rddreg [dreg:$0x3];
	s8 =	sor.u32 s7, s4  }
0x6: {  	[smem:$0x7FF] =	sst s2;
	s4 =	sshll.u32 s8, $0x6  }
0x7: {  	_ =	strace $0x80000047;
	s3 =	sadd.s32 s3, s4;
	s4 =	simm.s32 $0x3  }
0x8: {  	[tilespmem:s2], [sflag:$0x3] =	stream.linear.gather [hbm4b:s3+s2], $0x200, $0x38;
	[tilespmem:$0x10200] =	vst v63  }
0x9: {  	_ =	swait.ge [sflag:s4], $0x200  }
0xa: {  	[sflag:s4] =	ssyncset.done $0x0  }
0xb: {  	[sflag:s4] =	ssyncadd.s32 $0xFFFFFE00  }
0xc: {  	v1 =	vld [tilespmem:$0x1F0]  }
0xd: {  	v2 =	vld [tilespmem:$0x1B0]  }
0xe: {  	v3 =	vld [tilespmem:$0x1D0]  }
0xf: {  	v4 =	vld [tilespmem:$0x1C0]  }
0x10: {  	s9 =	smul.u32 $0x88, s8;
	v6 =	vld [tilespmem:$0x1A0]  }
0x11: {  	v7 =	vld [tilespmem:$0x190]  }
0x12: {  	v0 =	vmov s9  }
0x13: {  	v5 =	vld [tilespmem:$0x130];
	v1 =	vadd.s32 v0, v1  }
0x14: {  	v2 =	vadd.s32 v0, v2;
	[tilespmem:$0x1F0] =	vst v1;
	v1 =	vld [tilespmem:$0x180]  }
0x15: {  	v4 =	vadd.s32 v0, v4;
	[tilespmem:$0x1B0] =	vst v2;
	v2 =	vadd.s32 v0, v3;
	v3 =	vld [tilespmem:$0x160]  }
0x16: {  	v7 =	vadd.s32 v0, v7;
	[tilespmem:$0x1C0] =	vst v4;
	v4 =	vadd.s32 v0, v6;
	v6 =	vld [tilespmem:$0xB0]  }
0x17: {  	[tilespmem:$0x190] =	vst v7;
	v7 =	vld [tilespmem:$0x110]  }
0x18: {  	[tilespmem:$0x1D0] =	vst v2;
	v2 =	vadd.s32 v0, v5;
	v5 =	vld [tilespmem:$0x150]  }
0x19: {  	[tilespmem:$0x1A0] =	vst v4;
	v4 =	vld [tilespmem:$0x120]  }
0x1a: {  	[tilespmem:$0x130] =	vst v2;
	v2 =	vld [tilespmem:$0x140];
	v1 =	vadd.s32 v0, v1  }
0x1b: {  	v3 =	vadd.s32 v0, v3;
	[tilespmem:$0x180] =	vst v1  }
0x1c: {  	v7 =	vadd.s32 v0, v7;
	v1 =	vld [tilespmem:$0x100];
	[tilespmem:$0x160] =	vst v3  }
0x1d: {  	v5 =	vadd.s32 v0, v5;
	v3 =	vld [tilespmem:$0xE0];
	[tilespmem:$0x110] =	vst v7  }
0x1e: {  	v4 =	vadd.s32 v0, v4;
	v7 =	vld [tilespmem:$0x90];
	[tilespmem:$0x150] =	vst v5  }
0x1f: {  	v2 =	vadd.s32 v0, v2;
	v5 =	vadd.s32 v0, v6;
	v6 =	vld [tilespmem:$0xD0];
	[tilespmem:$0x120] =	vst v4  }
0x20: {  	[tilespmem:$0x140] =	vst v2;
	v2 =	vld [tilespmem:$0xC0]  }
0x21: {  	[tilespmem:$0xB0] =	vst v5;
	v5 =	vld [tilespmem:$0x30];
	v1 =	vadd.s32 v0, v1  }
0x22: {  	v4 =	vld [tilespmem:$0xA0];
	v3 =	vadd.s32 v0, v3;
	[tilespmem:$0x100] =	vst v1  }
0x23: {  	v7 =	vadd.s32 v0, v7;
	v1 =	vld [tilespmem:$0x80];
	[tilespmem:$0xE0] =	vst v3  }
0x24: {  	v6 =	vadd.s32 v0, v6;
	v3 =	vld [tilespmem:$0x70];
	[tilespmem:$0x90] =	vst v7  }
0x25: {  	s7 =	ssub.s32 $0x2, s7;
	v2 =	vadd.s32 v0, v2;
	[tilespmem:$0xD0] =	vst v6;
	v6 =	vld [tilespmem:$0x60]  }
0x26: {  	s31 =	sshrl.u32 s7, $0x1;
	v5 =	vadd.s32 v0, v5;
	[tilespmem:$0xC0] =	vst v2;
	v2 =	vld [tilespmem:$0x50]  }
0x27: {  	s7 =	ssub.s32 s7, s31;
	v4 =	vadd.s32 v0, v4;
	[tilespmem:$0x30] =	vst v5;
	v5 =	vld [tilespmem:$0x40]  }
0x28: {  	s17 =	smax.u32 s7, $0x1;
	[tilespmem:$0xA0] =	vst v4;
	v4 =	vld [tilespmem:$0x170];
	v1 =	vadd.s32 v0, v1  }
0x29: {  	p0 =	sne.s32 s17, $0x1;
	v7 =	vld [tilespmem:$0x20];
	v3 =	vadd.s32 v0, v3;
	[tilespmem:$0x80] =	vst v1  }
.Ltmp0:
0x2a: {  	s11 =	simm.s32 $0x80;
	s13 =	simm.s32 $0x4200;
	v6 =	vadd.s32 v0, v6;
	[tilespmem:$0x70] =	vst v3;
	v1 =	vld [tilespmem:$0x10];
	(pc) =	sbr.rel @!p0 .LBB2_2-.Ltmp0, $4  }
0x2b: {  	s14 =	simm.s32 $0x100;
	s15 =	simm.s32 $0x180;
	s8 =	sshll.u32 s8, $0xD;
	v3 =	vadd.s32 v0, v2;
	[tilespmem:$0x60] =	vst v6;
	v2 =	vld [tilespmem:$0xF0]  }
0x2c: {  	s16 =	simm.s32 $0xC200;
	s12 =	simm.s32 $0x1;
	s6 =	sadd.s32 s6, s8;
	v5 =	vadd.s32 v0, v5;
	[tilespmem:$0x50] =	vst v3;
	v3 =	vld [tilespmem:$0x0]  }
0x2d: {  	s10 =	simm.s32 $0x2;
	s8 =	sadd.s32 $0x1600, s5;
	s5 =	sadd.s32 $0x1000, s6;
	v6 =	vadd.s32 v0, v4;
	v4 =	vld [tilespmem:$0x1E0];
	[tilespmem:$0x40] =	vst v5  }
0x2e: {  	s9 =	simm.s32 $0x200;
	s7 =	simm.s32 $0x8200;
	s17 =	sadd.s32 $0xFFFFFFFF, s17;
	v5 =	vadd.s32 v0, v7;
	[tilespmem:$0x170] =	vst v6  }
.LBB2_1:
0x2f: {  	p0 =	sne.s32 s17, $0x1;
	s17 =	sadd.s32 $0xFFFFFFFF, s17;
	[tilespmem:$0x20] =	vst v5  }
0x30: {  	v2 =	vadd.s32 v0, v2  }
0x31: {  	v1 =	vadd.s32 v0, v1;
	v3 =	vadd.s32 v0, v3;
	[tilespmem:$0xF0] =	vst v2  }
0x32: {  	[tilespmem:$0x10] =	vst v1;
	v1 =	vadd.s32 v0, v4  }
0x33: {  	[tilespmem:$0x1E0] =	vst v1  }
0x34: {  	[tilespmem:$0x0] =	vst v3  }
0x35: {  	[tilespmem:s9], [sflag:$0x1] =	stream.indirect.gather [hbm4b:s8+s11], $0x80, s2, s11, $0xb8;
	[tilespmem:$0x10200] =	vst v63  }
0x36: {  	_ = 	snop  }
0x37: {  	[tilespmem:s13], [sflag:$0x1] =	stream.indirect.gather [hbm4b:s8+s11], $0x80, s11, s11, $0xb8;
	[tilespmem:$0x10200] =	vst v63  }
0x38: {  	_ = 	snop  }
0x39: {  	[tilespmem:s7], [sflag:$0x1] =	stream.indirect.gather [hbm4b:s8+s11], $0x80, s14, s11, $0xb8;
	[tilespmem:$0x10200] =	vst v63  }
0x3a: {  	_ = 	snop  }
0x3b: {  	[tilespmem:s16], [sflag:$0x1] =	stream.indirect.gather [hbm4b:s8+s11], $0x80, s15, s11, $0xb8;
	[tilespmem:$0x10200] =	vst v63  }
0x3c: {  	_ =	swait.ge [sflag:s12], $0x4000  }
0x3d: {  	[sflag:s12] =	ssyncset.done $0x0  }
0x3e: {  	[sflag:s12] =	ssyncadd.s32 $0xFFFFC000  }
0x3f: {  	_ =	swait.ge [sflag:s12], $0x4000  }
0x40: {  	[sflag:s12] =	ssyncset.done $0x0  }
0x41: {  	[sflag:s12] =	ssyncadd.s32 $0xFFFFC000  }
0x42: {  	[hbm4b:s6+s2] =	stream.linear.scatter [tilespmem:s9], [sflag:$0x2], $0x8000, $0x38;
	[tilespmem:$0x10200] =	vst v63  }
0x43: {  	_ =	swait.ge [sflag:s12], $0x4000  }
0x44: {  	[sflag:s12] =	ssyncset.done $0x0  }
0x45: {  	[sflag:s12] =	ssyncadd.s32 $0xFFFFC000  }
0x46: {  	_ =	swait.ge [sflag:s12], $0x4000  }
0x47: {  	[sflag:s12] =	ssyncset.done $0x0  }
0x48: {  	[sflag:s12] =	ssyncadd.s32 $0xFFFFC000  }
0x49: {  	[hbm4b:s5+s2] =	stream.linear.scatter [tilespmem:s7], [sflag:$0x2], $0x8000, $0x38;
	[tilespmem:$0x10200] =	vst v63  }
0x4a: {  	_ =	swait.ge [sflag:s10], $0x8000  }
0x4b: {  	[sflag:s10] =	ssyncset.done $0x0  }
0x4c: {  	[sflag:s10] =	ssyncadd.s32 $0xFFFF8000  }
0x4d: {  	_ =	swait.ge [sflag:s10], $0x8000  }
0x4e: {  	[sflag:s10] =	ssyncset.done $0x0  }
0x4f: {  	[sflag:s10] =	ssyncadd.s32 $0xFFFF8000  }
0x50: {  	[tilespmem:s2], [sflag:$0x3] =	stream.linear.gather [hbm4b:s3+s2], $0x200, $0x38;
	[tilespmem:$0x10200] =	vst v63  }
0x51: {  	_ =	swait.ge [sflag:s4], $0x200  }
0x52: {  	[sflag:s4] =	ssyncset.done $0x0  }
0x53: {  	[sflag:s4] =	ssyncadd.s32 $0xFFFFFE00  }
0x54: {  	v1 =	vld [tilespmem:$0x1F0]  }
0x55: {  	v2 =	vld [tilespmem:$0x1B0]  }
0x56: {  	v3 =	vld [tilespmem:$0x1D0]  }
0x57: {  	v4 =	vld [tilespmem:$0x1C0]  }
0x58: {  	v5 =	vld [tilespmem:$0x130]  }
0x59: {  	v6 =	vld [tilespmem:$0x1A0];
	v1 =	vadd.s32 v0, v1  }
0x5a: {  	v7 =	vld [tilespmem:$0x190];
	v2 =	vadd.s32 v0, v2;
	[tilespmem:$0x1F0] =	vst v1  }
0x5b: {  	v1 =	vld [tilespmem:$0x180];
	[tilespmem:$0x1B0] =	vst v2;
	v2 =	vadd.s32 v0, v3  }
0x5c: {  	v3 =	vld [tilespmem:$0x160];
	v4 =	vadd.s32 v0, v4;
	[tilespmem:$0x1D0] =	vst v2  }
0x5d: {  	v2 =	vadd.s32 v0, v5;
	v5 =	vld [tilespmem:$0x150];
	[tilespmem:$0x1C0] =	vst v4  }
0x5e: {  	[tilespmem:$0x130] =	vst v2;
	v2 =	vld [tilespmem:$0x140];
	v4 =	vadd.s32 v0, v6  }
0x5f: {  	v6 =	vld [tilespmem:$0xB0];
	v7 =	vadd.s32 v0, v7;
	[tilespmem:$0x1A0] =	vst v4  }
0x60: {  	v4 =	vld [tilespmem:$0x120];
	v1 =	vadd.s32 v0, v1;
	[tilespmem:$0x190] =	vst v7  }
0x61: {  	v7 =	vld [tilespmem:$0x110];
	v3 =	vadd.s32 v0, v3;
	[tilespmem:$0x180] =	vst v1  }
0x62: {  	v1 =	vld [tilespmem:$0x100];
	v5 =	vadd.s32 v0, v5;
	[tilespmem:$0x160] =	vst v3  }
0x63: {  	v3 =	vld [tilespmem:$0xE0];
	v2 =	vadd.s32 v0, v2;
	[tilespmem:$0x150] =	vst v5  }
0x64: {  	v5 =	vadd.s32 v0, v6;
	v6 =	vld [tilespmem:$0xD0];
	[tilespmem:$0x140] =	vst v2  }
0x65: {  	[tilespmem:$0xB0] =	vst v5;
	v2 =	vld [tilespmem:$0xC0];
	v4 =	vadd.s32 v0, v4  }
0x66: {  	v5 =	vld [tilespmem:$0x30];
	v7 =	vadd.s32 v0, v7;
	[tilespmem:$0x120] =	vst v4  }
0x67: {  	v4 =	vld [tilespmem:$0xA0];
	v1 =	vadd.s32 v0, v1;
	[tilespmem:$0x110] =	vst v7  }
0x68: {  	v7 =	vld [tilespmem:$0x90];
	v3 =	vadd.s32 v0, v3;
	[tilespmem:$0x100] =	vst v1  }
0x69: {  	v1 =	vld [tilespmem:$0x80];
	v6 =	vadd.s32 v0, v6;
	[tilespmem:$0xE0] =	vst v3  }
0x6a: {  	v3 =	vld [tilespmem:$0x70];
	v2 =	vadd.s32 v0, v2;
	[tilespmem:$0xD0] =	vst v6  }
0x6b: {  	v5 =	vadd.s32 v0, v5;
	v6 =	vld [tilespmem:$0x60];
	[tilespmem:$0xC0] =	vst v2  }
0x6c: {  	[tilespmem:$0x30] =	vst v5;
	v2 =	vld [tilespmem:$0x50];
	v4 =	vadd.s32 v0, v4  }
0x6d: {  	v5 =	vld [tilespmem:$0x40];
	v7 =	vadd.s32 v0, v7;
	[tilespmem:$0xA0] =	vst v4  }
0x6e: {  	v1 =	vadd.s32 v0, v1;
	[tilespmem:$0x90] =	vst v7;
	v4 =	vld [tilespmem:$0x170]  }
0x6f: {  	v7 =	vld [tilespmem:$0x20];
	v3 =	vadd.s32 v0, v3;
	[tilespmem:$0x80] =	vst v1  }
.Ltmp1:
0x70: {  	v1 =	vld [tilespmem:$0x10];
	v6 =	vadd.s32 v0, v6;
	[tilespmem:$0x70] =	vst v3;
	(pc) =	sbr.rel @p0 .LBB2_1-.Ltmp1, $4  }
0x71: {  	v8 =	vadd.s32 v0, v2;
	[tilespmem:$0x60] =	vst v6;
	v2 =	vld [tilespmem:$0xF0]  }
0x72: {  	v3 =	vld [tilespmem:$0x0];
	v5 =	vadd.s32 v0, v5;
	[tilespmem:$0x50] =	vst v8  }
0x73: {  	[tilespmem:$0x40] =	vst v5;
	v6 =	vadd.s32 v0, v4;
	v4 =	vld [tilespmem:$0x1E0]  }
0x74: {  	v5 =	vadd.s32 v0, v7;
	[tilespmem:$0x170] =	vst v6  }
.LBB2_2:
0x75: {  	[tilespmem:$0x20] =	vst v5;
	v1 =	vadd.s32 v0, v1  }
0x76: {  	v2 =	vadd.s32 v0, v2;
	[tilespmem:$0x10] =	vst v1  }
0x77: {  	[tilespmem:$0xF0] =	vst v2;
	v63 =	vadd.s32 v0, v3  }
0x78: {  	v62 =	vadd.s32 v0, v4;
	[tilespmem:$0x0] =	vst v63  }
0x79: {  	[tilespmem:$0x1E0] =	vst v62  }
0x7a: {  	[tilespmem:s9], [sflag:$0x1] =	stream.indirect.gather [hbm4b:s8+s11], $0x80, s2, s11, $0xb8;
	[tilespmem:$0x10200] =	vst v63  }
0x7b: {  	_ = 	snop  }
0x7c: {  	[tilespmem:s13], [sflag:$0x1] =	stream.indirect.gather [hbm4b:s8+s11], $0x80, s11, s11, $0xb8;
	[tilespmem:$0x10200] =	vst v63  }
0x7d: {  	_ = 	snop  }
0x7e: {  	[tilespmem:s7], [sflag:$0x1] =	stream.indirect.gather [hbm4b:s8+s11], $0x80, s14, s11, $0xb8;
	[tilespmem:$0x10200] =	vst v63  }
0x7f: {  	_ = 	snop  }
0x80: {  	[tilespmem:s16], [sflag:$0x1] =	stream.indirect.gather [hbm4b:s8+s11], $0x80, s15, s11, $0xb8;
	[tilespmem:$0x10200] =	vst v63  }
0x81: {  	_ =	swait.ge [sflag:s12], $0x4000  }
0x82: {  	[sflag:s12] =	ssyncset.done $0x0  }
0x83: {  	[sflag:s12] =	ssyncadd.s32 $0xFFFFC000  }
0x84: {  	_ =	swait.ge [sflag:s12], $0x4000  }
0x85: {  	[sflag:s12] =	ssyncset.done $0x0  }
0x86: {  	[sflag:s12] =	ssyncadd.s32 $0xFFFFC000  }
0x87: {  	[hbm4b:s6+s2] =	stream.linear.scatter [tilespmem:s9], [sflag:$0x2], $0x8000, $0x38;
	[tilespmem:$0x10200] =	vst v63  }
0x88: {  	_ =	swait.ge [sflag:s12], $0x4000  }
0x89: {  	[sflag:s12] =	ssyncset.done $0x0  }
0x8a: {  	[sflag:s12] =	ssyncadd.s32 $0xFFFFC000  }
0x8b: {  	_ =	swait.ge [sflag:s12], $0x4000  }
0x8c: {  	[sflag:s12] =	ssyncset.done $0x0  }
0x8d: {  	[sflag:s12] =	ssyncadd.s32 $0xFFFFC000  }
0x8e: {  	[hbm4b:s5+s2] =	stream.linear.scatter [tilespmem:s7], [sflag:$0x2], $0x8000, $0x38;
	[tilespmem:$0x10200] =	vst v63  }
0x8f: {  	_ =	swait.ge [sflag:s10], $0x8000  }
0x90: {  	[sflag:s10] =	ssyncset.done $0x0  }
0x91: {  	[sflag:s10] =	ssyncadd.s32 $0xFFFF8000  }
0x92: {  	_ =	swait.ge [sflag:s10], $0x8000  }
0x93: {  	[sflag:s10] =	ssyncset.done $0x0  }
0x94: {  	[sflag:s10] =	ssyncadd.s32 $0xFFFF8000  }
0x95: {  	_ =	sfence.sel $0x180000  }
0x96: {  	[bflag:$0x0] =	sbarrier.arrive $0xFFFF  }
0x97: {  	p0 =	sne.s32 s0, $0x0;
	_ =	strace $0x90000047  }
0x98: {  	s0 =	sadd.s32 @!p0 $0x100000, s1;
	[bflag:$0x2] =	sbarrier.arrive $0xFFFF  }
0x99: {  	[sflag:s0] =	ssyncadd.tile.s32 @!p0 $0x1;
	_ =	shalt  }
.Lfunc_end2:
_tile_overlayer_lowered:
.L_overlay_start_2:
0x9a: {  	(tag) =	ssettag $0x2  }
0x9b: {  	s0 =	rddreg [dreg:$0x0];
	s2 =	stileid.u32  }
0x9c: {  	s1 =	rddreg [dreg:$0x1];
	p0 =	sne.s32 s2, $0x0  }
0x9d: {  	s3 =	rddreg [dreg:$0x2];
	[bflag:$0x3] =	sbarrier.arrive $0xFFFF;
	s2 =	simm.s32 @!p0 $0x1C03  }
0x9e: {  	[timem:s3], [sflag:s2] =	dma.local @!p0 [hbm:s0], s1  }
0x9f: {  	s0 =	simm.s32 @!p0 $0x3  }
0xa0: {  	_ =	swait.ge @!p0 [sflag:s0], s1  }
0xa1: {  	s1 =	ssub.s32 @!p0 $0x0, s1;
	[sflag:s0] =	ssyncset.done @!p0 $0x0  }
0xa2: {  	[sflag:s0] =	ssyncadd.s32 @!p0 s1  }
0xa3: {  	[bflag:$0x3] =	sbarrier.arrive $0xFFFF  }
0xa4: {  	_ =	shalt  }

</sc_bundles>
